<compile_context>
chip_gen: v7x
topology: tpu7x:2x2x1
jax: 0.10.2.dev20260603
libtpu: 0.0.44.dev20260713+nightly
codegen_flags: <defaults>
</compile_context>

<pallas_src>
import math

import jax
import jax.numpy as jnp
import numpy as np
from jax.experimental import pallas as pl

N = 4096
IN_DIM = 128
HID = 256
LAT = 128
DEPTH = 3
BPS = 2
RATIO = 0.5


def _silu(v):
    return v * jax.nn.sigmoid(v)


def _layer_norm(v, g, b):
    m = jnp.mean(v, axis=-1, keepdims=True)
    var = jnp.mean((v - m) ** 2, axis=-1, keepdims=True)
    return (v - m) / jnp.sqrt(var + 1e-5) * g + b


def _enc_block(xin, adj, p):
    h = _layer_norm(xin, p["ln_g"], p["ln_b"])
    neighbor_sum = adj @ h
    h = (1.0 + p["eps"]) * h + neighbor_sum
    h = _silu(h @ p["lin1"]["w"] + p["lin1"]["b"])
    h = h @ p["lin2"]["w"] + p["lin2"]["b"]
    return xin + h


def _dec_block(xin, p):
    h = _layer_norm(xin, p["ln_g"], p["ln_b"])
    h = _silu(h @ p["lin1"]["w"] + p["lin1"]["b"])
    h = h @ p["lin2"]["w"] + p["lin2"]["b"]
    return xin + h


def _topk_pool(h, nodes_per_graph, pvec, ratio):
    B = h.shape[0] // nodes_per_graph
    score = h @ pvec / (jnp.linalg.norm(pvec) + 1e-12)
    k = int(math.ceil(ratio * nodes_per_graph))
    idx = jax.lax.top_k(score.reshape(B, nodes_per_graph), k)[1]
    keep = (idx + (jnp.arange(B) * nodes_per_graph)[:, None]).reshape(-1)
    h_pool = h[keep] * jnp.tanh(score[keep])[:, None]
    return h_pool, keep, k


def _interp_linear(h, out_size):
    L = h.shape[-1]
    src = (jnp.arange(out_size) + 0.5) * (L / out_size) - 0.5
    src = jnp.clip(src, 0.0, L - 1)
    lo = jnp.floor(src).astype(jnp.int32)
    hi = jnp.minimum(lo + 1, L - 1)
    w = (src - lo).astype(h.dtype)
    return h[..., lo] * (1.0 - w) + h[..., hi] * w


def _final_mm_kernel(h_ref, w1_ref, b1_ref, w2_ref, b2_ref, o_ref):
    h = h_ref[...]
    t = h @ w1_ref[...] + b1_ref[...]
    t = t * jax.nn.sigmoid(t)
    o_ref[...] = t @ w2_ref[...] + b2_ref[...]


def kernel(x, adj, pos, batch_size, params):
    B_static = x.shape[0] // adj.shape[0]
    adj0 = (adj != 0).astype(jnp.float32)
    h = x @ params["in_proj"]["w"] + params["in_proj"]["b"]
    h = h * (jnp.asarray(batch_size, h.dtype) / B_static)
    pe = _silu(pos @ params["pos_mlp"][0]["w"] + params["pos_mlp"][0]["b"])
    pe = pe @ params["pos_mlp"][1]["w"] + params["pos_mlp"][1]["b"]
    h = h + pe
    npg = adj.shape[0]
    h_cur, adj_cur = h, adj0
    for d in range(DEPTH):
        for bp in params["enc"][d]:
            h_cur = _enc_block(h_cur, adj_cur, bp)
        h_pool, keep, k = _topk_pool(h_cur, npg, params["pools"][d], RATIO)
        adj_cur = (adj_cur[keep][:, keep] != 0).astype(jnp.float32)
        h_cur, npg = h_pool, k
    for bp in params["final_enc"]:
        h_cur = _enc_block(h_cur, adj_cur, bp)
    hg = h_cur.reshape(B_static, npg, HID).mean(axis=1)
    z = hg @ params["to_latent"]["w"] + params["to_latent"]["b"]
    B = z.shape[0]
    hd = z @ params["from_latent"]["w"] + params["from_latent"]["b"]
    hd = hd.reshape(B, 16, HID).transpose(0, 2, 1)
    hd = _interp_linear(hd, N).transpose(0, 2, 1).reshape(B * N, HID)
    for bp in params["dec"]:
        hd = _dec_block(hd, bp)
    out = pl.pallas_call(
        _final_mm_kernel,
        out_shape=jax.ShapeDtypeStruct((B * N, IN_DIM), jnp.float32),
        grid=(8,),
        in_specs=[
            pl.BlockSpec((B * N // 8, HID), lambda i: (i, 0)),
            pl.BlockSpec((HID, HID), lambda i: (0, 0)),
            pl.BlockSpec((HID,), lambda i: (0,)),
            pl.BlockSpec((HID, IN_DIM), lambda i: (0, 0)),
            pl.BlockSpec((IN_DIM,), lambda i: (0,)),
        ],
        out_specs=pl.BlockSpec((B * N // 8, IN_DIM), lambda i: (i, 0)),
    )(hd, params["out_proj"][0]["w"], params["out_proj"][0]["b"],
      params["out_proj"][1]["w"], params["out_proj"][1]["b"])
    return out.reshape(B, N, IN_DIM), z

# --- scband reference (transcript-rebuilt; emitter-appended) ---
"""Pipeline reference for scband-graph-autoencoder-81595788690079 (READ-ONLY COPY).

The authoritative reference and input builder live on the scoring server;
editing this copy changes nothing except your own understanding.
"""

import jax, jax.numpy as jnp
import numpy as np
import math

N = 4096
IN_DIM = 128
HID = 256
LAT = 128
DEPTH = 3
BPS = 2
RATIO = 0.5
POS_DIM = 3
AVG_DEG = 16


def _lin_init(key, fin, fout):
    return {"w": jax.random.normal(key, (fin, fout), jnp.float32) * (1.0 / np.sqrt(fin)),
            "b": jnp.zeros((fout,), jnp.float32)}


def _enc_block_init(key):
    k1, k2 = jax.random.split(key)
    return {"ln_g": jnp.ones((HID,), jnp.float32), "ln_b": jnp.zeros((HID,), jnp.float32),
            "lin1": _lin_init(k1, HID, HID), "lin2": _lin_init(k2, HID, HID),
            "eps": jnp.zeros((), jnp.float32)}


def _dec_block_init(key):
    k1, k2 = jax.random.split(key)
    return {"ln_g": jnp.ones((HID,), jnp.float32), "ln_b": jnp.zeros((HID,), jnp.float32),
            "lin1": _lin_init(k1, HID, HID), "lin2": _lin_init(k2, HID, HID)}


def setup_inputs(seed: int = 0) -> dict:
    key = jax.random.key(seed)
    cnt = [0]
    def nk():
        cnt[0] += 1
        return jax.random.fold_in(key, cnt[0])
    x = jax.random.normal(nk(), (N, IN_DIM), jnp.float32)
    adj = (jax.random.uniform(nk(), (N, N)) < (AVG_DEG / N)).astype(jnp.float32)
    pos = jax.random.normal(nk(), (N, POS_DIM), jnp.float32)
    params = {
        "in_proj": _lin_init(nk(), IN_DIM, HID),
        "pos_mlp": [_lin_init(nk(), POS_DIM, HID), _lin_init(nk(), HID, HID)],
        "enc": [[_enc_block_init(nk()) for _ in range(BPS)] for _ in range(DEPTH)],
        "pools": [jax.random.normal(nk(), (HID,), jnp.float32) for _ in range(DEPTH)],
        "final_enc": [_enc_block_init(nk()) for _ in range(BPS)],
        "to_latent": _lin_init(nk(), HID, LAT),
        "from_latent": _lin_init(nk(), LAT, HID * 16),
        "dec": [_dec_block_init(nk()) for _ in range(DEPTH * BPS)],
        "out_proj": [_lin_init(nk(), HID, HID), _lin_init(nk(), HID, IN_DIM)],
    }
    return {"x": x, "adj": adj, "pos": pos, "batch_size": 1, "params": params}


def _silu(v):
    return v * jax.nn.sigmoid(v)


def _layer_norm(v, g, b):
    m = jnp.mean(v, axis=-1, keepdims=True)
    var = jnp.mean((v - m) ** 2, axis=-1, keepdims=True)
    return (v - m) / jnp.sqrt(var + 1e-5) * g + b


def _enc_block(xin, adj, p):
    h = _layer_norm(xin, p["ln_g"], p["ln_b"])
    neighbor_sum = adj @ h
    h = (1.0 + p["eps"]) * h + neighbor_sum
    h = _silu(h @ p["lin1"]["w"] + p["lin1"]["b"])
    h = h @ p["lin2"]["w"] + p["lin2"]["b"]
    return xin + h


def _dec_block(xin, p):
    h = _layer_norm(xin, p["ln_g"], p["ln_b"])
    h = _silu(h @ p["lin1"]["w"] + p["lin1"]["b"])
    h = h @ p["lin2"]["w"] + p["lin2"]["b"]
    return xin + h


def _topk_pool(h, nodes_per_graph, pvec, ratio):
    B = h.shape[0] // nodes_per_graph
    score = h @ pvec / (jnp.linalg.norm(pvec) + 1e-12)
    k = int(math.ceil(ratio * nodes_per_graph))
    idx = jax.lax.top_k(score.reshape(B, nodes_per_graph), k)[1]
    keep = (idx + (jnp.arange(B) * nodes_per_graph)[:, None]).reshape(-1)
    h_pool = h[keep] * jnp.tanh(score[keep])[:, None]
    return h_pool, keep, k


def _to_binary(a):
    return (a != 0).astype(jnp.float32)


def _block_diag(adj, B):
    if B == 1:
        return adj
    return jnp.kron(jnp.eye(B, dtype=adj.dtype), adj)


def _interp_linear(h, out_size):
    # h: [B, C, L]; matches F.interpolate(mode='linear', align_corners=False)
    L = h.shape[-1]
    src = (jnp.arange(out_size) + 0.5) * (L / out_size) - 0.5
    src = jnp.clip(src, 0.0, L - 1)
    lo = jnp.floor(src).astype(jnp.int32)
    hi = jnp.minimum(lo + 1, L - 1)
    w = (src - lo).astype(h.dtype)
    return h[..., lo] * (1.0 - w) + h[..., hi] * w


def _forward(x, adj, pos, batch_size, params):
    B_static = x.shape[0] // adj.shape[0]
    adj0 = _block_diag(_to_binary(adj), B_static)
    h = x @ params["in_proj"]["w"] + params["in_proj"]["b"]
    h = h * (jnp.asarray(batch_size, h.dtype) / B_static)
    pos_t = jnp.tile(pos, (B_static, 1))
    pe = _silu(pos_t @ params["pos_mlp"][0]["w"] + params["pos_mlp"][0]["b"])
    pe = pe @ params["pos_mlp"][1]["w"] + params["pos_mlp"][1]["b"]
    h = h + pe
    npg = adj.shape[0]
    h_cur, adj_cur = h, adj0
    for d in range(DEPTH):
        for bp in params["enc"][d]:
            h_cur = _enc_block(h_cur, adj_cur, bp)
        h_pool, keep, k = _topk_pool(h_cur, npg, params["pools"][d], RATIO)
        adj_cur = _to_binary(adj_cur[keep][:, keep])
        h_cur, npg = h_pool, k
    for bp in params["final_enc"]:
        h_cur = _enc_block(h_cur, adj_cur, bp)
    hg = h_cur.reshape(B_static, npg, HID).mean(axis=1)
    z = hg @ params["to_latent"]["w"] + params["to_latent"]["b"]
    B = z.shape[0]
    hd = z @ params["from_latent"]["w"] + params["from_latent"]["b"]
    hd = hd.reshape(B, 16, HID).transpose(0, 2, 1)
    hd = _interp_linear(hd, N).transpose(0, 2, 1).reshape(B * N, HID)
    for bp in params["dec"]:
        hd = _dec_block(hd, bp)
    out = _silu(hd @ params["out_proj"][0]["w"] + params["out_proj"][0]["b"])
    out = out @ params["out_proj"][1]["w"] + params["out_proj"][1]["b"]
    return out.reshape(B, N, IN_DIM), z


def reference(x, adj, pos, batch_size, params):
    return _forward(x, adj, pos, batch_size, params)

if __name__ == "__main__":
    import jax
    _d = setup_inputs()
    print(jax.jit(kernel)(*tuple(_d.values())))

</pallas_src>

<mosaic_0001>
module attributes {stable_mosaic.version = 14 : i64} {
  func.func @_final_mm_kernel(%arg0: i32, %arg1: memref<512x256xf32, #tpu.memory_space<vmem>>, %arg2: memref<256x256xf32, #tpu.memory_space<vmem>>, %arg3: memref<256xf32, #tpu.memory_space<vmem>>, %arg4: memref<256x128xf32, #tpu.memory_space<vmem>>, %arg5: memref<128xf32, #tpu.memory_space<vmem>>, %arg6: memref<512x128xf32, #tpu.memory_space<vmem>>) attributes {dimension_semantics = [#tpu.dimension_semantics<arbitrary>], iteration_bounds = array<i64: 8>, scalar_prefetch = 0 : i64, scratch_operands = 0 : i64, tpu.core_type = #tpu.core_type<tc>, window_params = [{transform_indices = @transform_0, window_bounds = array<i64: 512, 256>}, {pipeline_mode = #tpu.pipeline_mode<synchronous>, transform_indices = @transform_1, window_bounds = array<i64: 256, 256>}, {pipeline_mode = #tpu.pipeline_mode<synchronous>, transform_indices = @transform_2, window_bounds = array<i64: 256>}, {pipeline_mode = #tpu.pipeline_mode<synchronous>, transform_indices = @transform_3, window_bounds = array<i64: 256, 128>}, {pipeline_mode = #tpu.pipeline_mode<synchronous>, transform_indices = @transform_4, window_bounds = array<i64: 128>}, {transform_indices = @transform_5, window_bounds = array<i64: 512, 128>}]} {
    %get3A = arith.constant 0 : index
    %get3A_0 = arith.constant 0 : index
    %get3A_1 = vector.load %arg1[%get3A, %get3A_0] : memref<512x256xf32, #tpu.memory_space<vmem>>, vector<512x256xf32>
    %get3A_2 = arith.constant 0 : index
    %get3A_3 = arith.constant 0 : index
    %get3A_4 = vector.load %arg2[%get3A_2, %get3A_3] : memref<256x256xf32, #tpu.memory_space<vmem>>, vector<256x256xf32>
    %dot_general3A = arith.constant dense<0.000000e+00> : vector<512x256xf32>
    %dot_general3A_5 = tpu.matmul %get3A_1, %get3A_4, %dot_general3A {dimension_numbers = #tpu.dot_dimension_numbers<[1], [0], [0], [1], [0, 0, 1, 1], [], []>, transpose_lhs_hint = false} : vector<512x256xf32>, vector<256x256xf32>, vector<512x256xf32> -> vector<512x256xf32>
    %get3A_6 = arith.constant 0 : index
    %get3A_7 = vector.load %arg3[%get3A_6] : memref<256xf32, #tpu.memory_space<vmem>>, vector<256xf32>
    %broadcast_in_dim3A = vector.shape_cast %get3A_7 : vector<256xf32> to vector<1x256xf32>
    %add3A = vector.broadcast %broadcast_in_dim3A : vector<1x256xf32> to vector<512x256xf32>
    %add3A_8 = arith.addf %dot_general3A_5, %add3A : vector<512x256xf32>
    %logistic3A = arith.negf %add3A_8 : vector<512x256xf32>
    %logistic3A_9 = math.exp %logistic3A : vector<512x256xf32>
    %logistic3A_10 = arith.constant 1.000000e+00 : f32
    %logistic3A_11 = vector.broadcast %logistic3A_10 : f32 to vector<512x256xf32>
    %logistic3A_12 = arith.addf %logistic3A_11, %logistic3A_9 : vector<512x256xf32>
    %logistic3A_13 = arith.divf %logistic3A_11, %logistic3A_12 : vector<512x256xf32>
    %mul3A = arith.mulf %add3A_8, %logistic3A_13 : vector<512x256xf32>
    %get3A_14 = arith.constant 0 : index
    %get3A_15 = arith.constant 0 : index
    %get3A_16 = vector.load %arg4[%get3A_14, %get3A_15] : memref<256x128xf32, #tpu.memory_space<vmem>>, vector<256x128xf32>
    %dot_general3A_17 = arith.constant dense<0.000000e+00> : vector<512x128xf32>
    %dot_general3A_18 = tpu.matmul %mul3A, %get3A_16, %dot_general3A_17 {dimension_numbers = #tpu.dot_dimension_numbers<[1], [0], [0], [1], [0, 0, 1, 1], [], []>, transpose_lhs_hint = false} : vector<512x256xf32>, vector<256x128xf32>, vector<512x128xf32> -> vector<512x128xf32>
    %get3A_19 = arith.constant 0 : index
    %get3A_20 = vector.load %arg5[%get3A_19] : memref<128xf32, #tpu.memory_space<vmem>>, vector<128xf32>
    %broadcast_in_dim3A_21 = vector.shape_cast %get3A_20 : vector<128xf32> to vector<1x128xf32>
    %add3A_22 = vector.broadcast %broadcast_in_dim3A_21 : vector<1x128xf32> to vector<512x128xf32>
    %add3A_23 = arith.addf %dot_general3A_18, %add3A_22 : vector<512x128xf32>
    %swap3A = arith.constant 0 : index
    %swap3A_24 = arith.constant 0 : index
    %swap3A_25 = vector.load %arg6[%swap3A, %swap3A_24] : memref<512x128xf32, #tpu.memory_space<vmem>>, vector<512x128xf32>
    tpu.vector_store %arg6[%swap3A, %swap3A_24], %add3A_23 {strides = array<i32>} : memref<512x128xf32, #tpu.memory_space<vmem>>, vector<512x128xf32>,
    return
  }
  func.func @transform_0(%arg0: i32) -> (i32, i32) {
    %c0_i32 = arith.constant 0 : i32
    %c0_i32_0 = arith.constant 0 : i32
    return %arg0, %c0_i32 : i32, i32
  }
  func.func @transform_1(%arg0: i32) -> (i32, i32) {
    %c0_i32 = arith.constant 0 : i32
    %c0_i32_0 = arith.constant 0 : i32
    %c0_i32_1 = arith.constant 0 : i32
    return %c0_i32, %c0_i32_0 : i32, i32
  }
  func.func @transform_2(%arg0: i32) -> i32 {
    %c0_i32 = arith.constant 0 : i32
    %c0_i32_0 = arith.constant 0 : i32
    return %c0_i32 : i32
  }
  func.func @transform_3(%arg0: i32) -> (i32, i32) {
    %c0_i32 = arith.constant 0 : i32
    %c0_i32_0 = arith.constant 0 : i32
    %c0_i32_1 = arith.constant 0 : i32
    return %c0_i32, %c0_i32_0 : i32, i32
  }
  func.func @transform_4(%arg0: i32) -> i32 {
    %c0_i32 = arith.constant 0 : i32
    %c0_i32_0 = arith.constant 0 : i32
    return %c0_i32 : i32
  }
  func.func @transform_5(%arg0: i32) -> (i32, i32) {
    %c0_i32 = arith.constant 0 : i32
    %c0_i32_0 = arith.constant 0 : i32
    return %arg0, %c0_i32 : i32, i32
  }
}

</mosaic_0001>

<sc_bundles>
// kernel: gather_offload_async_start.1
scs
__scs_entry_jumppad:
0x0: {  	(pc) =	sbr.rel $0x88, $3  }
0x1: {  	(tag) =	ssettag $0x0;
	lr =	simm.s32 $0x1  }
0x2: {  	[smem:$0x3F30] =	sst lr;
	_ =	strace $0xD0000000  }
0x3: {  	_ = 	snop  }
0x4: {  	_ = 	snop  }
0x5: {  	_ = 	snop  }
0x6: {  	_ = 	snop  }
0x7: {  	_ = 	snop  }
__scs_overlays_trampoline_lowered:
0x8: {  	[smem:$0x3F3F] =	sst s0  }
0x9: {  	[smem:$0x3F40] =	sst s1  }
0xa: {  	[smem:$0x3F41] =	sst s2  }
0xb: {  	[smem:$0x3F42] =	sst s3  }
0xc: {  	[smem:$0x3F43] =	sst s4  }
0xd: {  	[smem:$0x3F44] =	sst s5  }
0xe: {  	[smem:$0x3F45] =	sst s6  }
0xf: {  	[smem:$0x3F46] =	sst s7  }
0x10: {  	[smem:$0x3F47] =	sst s8  }
0x11: {  	[smem:$0x3F48] =	sst s9;
	s0 =	simm.s32 @!p0 $0x0  }
0x12: {  	s1 =	sld [smem:$0x3F2E];
	s0 =	simm.s32 @p0 $0x1  }
0x13: {  	[smem:$0x3F49] =	sst s0;
	s0 =	simm.s32 @!p1 $0x0  }
0x14: {  	s2 =	sld [smem:$0x3F2D];
	s0 =	simm.s32 @p1 $0x1  }
0x15: {  	[smem:$0x3F4A] =	sst s0;
	s0 =	simm.s32 @!p2 $0x0  }
0x16: {  	s3 =	sld [smem:$0x3FDB];
	s0 =	simm.s32 @p2 $0x1  }
0x17: {  	s4 =	simm.s32 $0x1BF5;
	[smem:$0x3F4C] =	sst s0  }
0x18: {  	s0 =	sld [smem:$0x3F2F];
	_ =	swait.ge [sflag:s4], $0x0  }
0x19: {  	s7 =	sld [smem:$0x3F30]  }
0x1a: {  	s8 =	sadd.s32 $0xFFFFE003, lr  }
0x1b: {  	s9 =	sadd.s32 $0xFFFFFEF7, lr;
	s5 =	simm.s32 $0xFFFFFFFF;
	p2 =	slt.u32 s8, $0xFFFFF086  }
0x1c: {  	p1 =	slt.u32 s9, $0xF7A;
	s5 =	simm.s32 @!p2 $0x0  }
0x1d: {  	s5 =	simm.s32 @p1 $0x1;
	p0 =	seq.s32 s7, s2  }
0x1e: {  	s7 =	smul.u32 @!p0 $0xF7A, s2;
	p2 =	seq.s32 @!p0 s5, $0x0  }
0x1f: {  	s9 =	smul.u32 $0xF7A, s1;
	s8 =	simm.s32 @!p0 $0x1BF5;
	p2 =	por !p2, p0  }
0x20: {  	[sflag:s8] =	ssyncset.s32 @!p0 $0xFFFFF086;
	s6 =	sadd.s32 @!p0 s3, s7;
	s7 =	simm.s32 @!p0 $0x108  }
0x21: {  	s3 =	sadd.s32 s3, s9;
	s6 =	sadd.s32 @!p0 $0x88, s6;
	s7 =	simm.s32 @p2 $0x1082  }
0x22: {  	[simem:s7], [sflag:s8] =	dma.local @!p0 [hbm:s6], $0xF7A  }
0x23: {  	s9 =	sor.u32 $0xD0000000, s2;
	s6 =	simm.s32 $0x108;
	_ =	swait.ge @!p0 [sflag:s8], $0x0  }
0x24: {  	s3 =	sadd.s32 $0x88, s3;
	s6 =	simm.s32 @!p1 $0x1082;
	[sflag:s4] =	ssyncset.s32 $0xFFFFF086  }
0x25: {  	[simem:s6], [sflag:s4] =	dma.local [hbm:s3], $0xF7A  }
0x26: {  	[smem:$0x3F30] =	sst s1;
	(tag) =	ssettag s2;
	_ =	strace s9  }
0x27: {  	s1 =	sld [smem:$0x3F40]  }
0x28: {  	s2 =	sld [smem:$0x3F41]  }
0x29: {  	s4 =	sld [smem:$0x3F43]  }
0x2a: {  	p0 =	seq.s32 s5, $0x0;
	s5 =	sld [smem:$0x3F44]  }
0x2b: {  	s6 =	sld [smem:$0x3F45]  }
0x2c: {  	s7 =	sld [smem:$0x3F46]  }
0x2d: {  	s3 =	simm.s32 $0x108;
	s8 =	sld [smem:$0x3F47]  }
0x2e: {  	s3 =	simm.s32 @!p0 $0x1082;
	s9 =	sld [smem:$0x3F48]  }
0x2f: {  	lr =	sadd.s32 s0, s3;
	s0 =	sld [smem:$0x3F3F]  }
0x30: {  	s3 =	sld [smem:$0x3F42]  }
0x31: {  	[smem:$0x3F4B] =	sst s10  }
0x32: {  	s10 =	sld [smem:$0x3F49];
	_ =	sdelay $0x3  }
0x33: {  	p0 =	seq.s32 s10, $0x1;
	s10 =	sld [smem:$0x3F4B];
	_ =	sdelay $0x3  }
0x34: {  	[smem:$0x3F4B] =	sst s10  }
0x35: {  	s10 =	sld [smem:$0x3F4A];
	_ =	sdelay $0x3  }
0x36: {  	p1 =	seq.s32 s10, $0x1;
	s10 =	sld [smem:$0x3F4B];
	_ =	sdelay $0x3  }
0x37: {  	[smem:$0x3F4B] =	sst s10  }
0x38: {  	s10 =	sld [smem:$0x3F4C]  }
0x39: {  	_ = 	snop;
	(pc) =	sbr.ind lr, $3  }
0x3a: {  	_ = 	snop  }
0x3b: {  	_ = 	snop  }
0x3c: {  	p2 =	seq.s32 s10, $0x1;
	s10 =	sld [smem:$0x3F4B]  }
0x3d: {  	_ =	shalt  }
0x3e: {  	_ =	shalt  }
0x3f: {  	_ =	shalt  }
0x40: {  	_ =	shalt  }
0x41: {  	_ =	shalt  }
0x42: {  	_ =	shalt  }
0x43: {  	_ =	shalt  }
0x44: {  	_ =	shalt  }
0x45: {  	_ =	shalt  }
0x46: {  	_ =	shalt  }
0x47: {  	_ =	shalt  }
0x48: {  	_ =	shalt  }
0x49: {  	_ =	shalt  }
0x4a: {  	_ =	shalt  }
0x4b: {  	_ =	shalt  }
0x4c: {  	_ =	shalt  }
0x4d: {  	_ =	shalt  }
0x4e: {  	_ =	shalt  }
0x4f: {  	_ =	shalt  }
0x50: {  	_ =	shalt  }
0x51: {  	_ =	shalt  }
0x52: {  	_ =	shalt  }
0x53: {  	_ =	shalt  }
0x54: {  	_ =	shalt  }
0x55: {  	_ =	shalt  }
0x56: {  	_ =	shalt  }
0x57: {  	_ =	shalt  }
0x58: {  	_ =	shalt  }
0x59: {  	_ =	shalt  }
0x5a: {  	_ =	shalt  }
0x5b: {  	_ =	shalt  }
0x5c: {  	_ =	shalt  }
0x5d: {  	_ =	shalt  }
0x5e: {  	_ =	shalt  }
0x5f: {  	_ =	shalt  }
0x60: {  	_ =	shalt  }
0x61: {  	_ =	shalt  }
0x62: {  	_ =	shalt  }
0x63: {  	_ =	shalt  }
0x64: {  	_ =	shalt  }
0x65: {  	_ =	shalt  }
0x66: {  	_ =	shalt  }
0x67: {  	_ =	shalt  }
0x68: {  	_ =	shalt  }
0x69: {  	_ =	shalt  }
0x6a: {  	_ =	shalt  }
0x6b: {  	_ =	shalt  }
0x6c: {  	_ =	shalt  }
0x6d: {  	_ =	shalt  }
0x6e: {  	_ =	shalt  }
0x6f: {  	_ =	shalt  }
0x70: {  	_ =	shalt  }
0x71: {  	_ =	shalt  }
0x72: {  	_ =	shalt  }
0x73: {  	_ =	shalt  }
0x74: {  	_ =	shalt  }
0x75: {  	_ =	shalt  }
0x76: {  	_ =	shalt  }
0x77: {  	_ =	shalt  }
0x78: {  	_ =	shalt  }
0x79: {  	_ =	shalt  }
0x7a: {  	_ =	shalt  }
0x7b: {  	_ =	shalt  }
0x7c: {  	_ =	shalt  }
0x7d: {  	_ =	shalt  }
0x7e: {  	_ =	shalt  }
0x7f: {  	_ =	shalt  }
0x80: {  	_ =	shalt  }
0x81: {  	_ =	shalt  }
0x82: {  	_ =	shalt  }
0x83: {  	_ =	shalt  }
0x84: {  	_ =	shalt  }
0x85: {  	_ =	shalt  }
0x86: {  	_ =	shalt  }
0x87: {  	_ =	shalt  }
.Lfunc_end0:
.L_simem_size_0:
called_computation.2_lowered:
.L_overlay_start_0:
0x88: {  	s2 =	sld [smem:$0x3FD9]  }
0x89: {  	s3 =	sld [smem:$0x3FFE];
	_ =	sdelay $0x1  }
0x8a: {  	s1 =	srdreg.scid  }
0x8b: {  	s0 =	sand.u32 $0x1, s1  }
0x8c: {  	s17 =	sshll.u32 s0, $0xA;
	s2 =	sadd.s32 s3, s2  }
0x8d: {  	s2 =	sadd.s32 s2, s17  }
0x8e: {  	[smem:$0x3F57] =	sst s2  }
0x8f: {  	_ = 	snop  }
0x90: {  	(tm) =	ssettm $0x1  }
0x91: {  	s18 =	sld [smem:$0x3FFB];
	_ =	sdelay $0x3  }
0x92: {  	_ =	strace s18  }
0x93: {  	s2 =	sld [smem:$0x3FFC];
	_ =	sdelay $0x3  }
0x94: {  	_ =	strace s2  }
0x95: {  	s2 =	sld [smem:$0x3FFD];
	_ =	sdelay $0x3  }
0x96: {  	_ =	strace s2  }
0x97: {  	_ =	strace $0x8FFFFFFF  }
0x98: {  	s19 =	sld [smem:$0x3FDB];
	_ =	sdelay $0x1  }
0x99: {  	s20 =	simm.s32 $_scs_section_size  }
0x9a: {  	s4 =	simm.s32 $_size__tile_overlayer_lowered;
	s5 =	simm.s32 $_tile_overlayer_lowered  }
0x9b: {  	s6 =	simm.s32 $0x1BFF;
	s21 =	sshll.u32 s5, $0x1;
	s3 =	sadd.s32 s20, s19  }
0x9c: {  	s22 =	simm.s32 $0x0;
	s4 =	sshll.u32 s4, $0x1;
	s5 =	sadd.s32 s21, s3  }
0x9d: {  	[timem:s22], [sflag:s6] =	dma.local [hbm:s5], s4  }
0x9e: {  	_ =	swait.ge [sflag:s6], s4  }
0x9f: {  	s4 =	ssub.s32 $0x0, s4;
	[sflag:s6] =	ssyncset.done $0x0  }
0xa0: {  	[sflag:s6] =	ssyncadd.s32 s4;
	_ =	sdelay $0x1  }
0xa1: {  	s23 =	simm.s32 $0x1B8B  }
0xa2: {  	_ =	swait.ge [sflag:s23], $0x1  }
0xa3: {  	[sflag:s23] =	ssyncset.done $0x0  }
0xa4: {  	[sflag:s23] =	ssyncadd.s32 $0xFFFFFFFF  }
0xa5: {  	s4 =	sld [smem:$0x0]  }
0xa6: {  	s5 =	sand.u32 $0xFFFFFFFE, s1  }
0xa7: {  	p0 =	sne.s32 s1, s5  }
0xa8: {  	s5 =	sshll.u32 @p0 s5, $0xE  }
0xa9: {  	s5 =	sadd.s32 @p0 $0x11B8D, s5;
	s6 =	sshll.u32 @p0 s4, $0x11  }
0xaa: {  	s5 =	sor.u32 @p0 s6, s5  }
0xab: {  	[sflag:s5] =	ssyncadd.remote.s32 @p0 $0x1;
	_ =	sdelay $0x1  }
0xac: {  	s5 =	simm.s32 @p0 $0x1B8D  }
0xad: {  	_ =	swait.eq @p0 [sflag:s5], $0x1  }
0xae: {  	[sflag:s5] =	ssyncadd.s32 @p0 $0xFFFFFFFF  }
0xaf: {  	s6 =	sshll.u32 @!p0 s1, $0xE  }
0xb0: {  	s6 =	sor.u32 @!p0 $0x4000, s6;
	s5 =	simm.s32 @!p0 $0x1B8D  }
0xb1: {  	s4 =	sshll.u32 @!p0 s4, $0x11;
	s6 =	sadd.s32 @!p0 $0x11B8D, s6;
	_ =	swait.eq @!p0 [sflag:s5], $0x1  }
0xb2: {  	s4 =	sor.u32 @!p0 s4, s6;
	[sflag:s5] =	ssyncadd.s32 @!p0 $0xFFFFFFFF  }
0xb3: {  	s25 =	simm.s32 $0x1B8E;
	s24 =	sld [smem:$0x3FFE];
	[sflag:s4] =	ssyncadd.remote.s32 @!p0 $0x1  }
0xb4: {  	s26 =	simm.s32 $execute0_lowered;
	[smem:$0x3FD2] =	sst s25  }
0xb5: {  	s5 =	sshll.u32 s26, $0x1;
	_ =	strace $0x8000004C;
	[dreg:$0x1] =	wrdreg $0xFFFFFFFF  }
0xb6: {  	s28 =	simm.s32 $_size_execute0_lowered;
	s3 =	sadd.s32 s3, s5;
	[dreg:$0x0] =	wrdreg $0x0  }
0xb7: {  	s5 =	sshll.u32 s28, $0x1;
	[dreg:$0x2] =	wrdreg s3  }
0xb8: {  	[dreg:$0x3] =	wrdreg s5  }
0xb9: {  	[dreg:$0x4] =	wrdreg $0xC0  }
0xba: {  	_ =	task [dreg:s22], $0x5FFFF  }
0xbb: {  	[dreg:$0x1] =	wrdreg $0xFFFFFFFF  }
0xbc: {  	[dreg:$0x0] =	wrdreg $0x60  }
0xbd: {  	[dreg:$0x2] =	wrdreg s24  }
0xbe: {  	[dreg:$0x3] =	wrdreg $0xA  }
0xbf: {  	_ =	task.clear_ibuf [dreg:s22], $0x4FFFF;
	_ =	strace $0x9000004C  }
0xc0: {  	s29 =	simm.s32 $0xA;
	_ =	strace $0x8000004E  }
0xc1: {  	_ =	swait.ge [sflag:s29], $0x1  }
0xc2: {  	[sflag:s29] =	ssyncadd.s32 $0xFFFFFFFF  }
0xc3: {  	_ =	strace $0x9000004E  }
0xc4: {  	_ =	sfence  }
0xc5: {  	s30 =	sld [smem:$0x0];
	_ =	sdelay $0x2  }
0xc6: {  	s31 =	sshll.u32 s1, $0xD;
	s1 =	sshrl.u32 s1, $0x2  }
0xc7: {  	s4 =	sand.u32 $0x4000, s31;
	s1 =	sadd.s32 s1, s30  }
0xc8: {  	s0 =	sor.u32 s4, s0;
	s1 =	sshll.u32 s1, $0x11  }
0xc9: {  	s0 =	sor.u32 s1, s0  }
0xca: {  	s0 =	sadd.s32 $0x8F2B, s0  }
0xcb: {  	[sflag:s0] =	ssyncadd.remote.s32 $0x1  }
0xcc: {  	_ =	sfence.sel $0xFFFF  }
0xcd: {  	[dreg:$0x0] =	wrdreg $0xFFFFFFFF;
	(pc) =	sbr.abs _section_cstart, $3  }
0xce: {  	[dreg:$0x1] =	wrdreg $0xFFFFFFFF  }
0xcf: {  	_ =	task.clear_ibuf [dreg:s22], $0x2FFFF;
	_ =	strace $0x9FFFFFFF  }
0xd0: {  	(tm) =	ssettm $0x7FFFFFFF  }
0xd1: {  	_ =	shalt  }
tec
execute0_lowered:
.L_overlay_start_1:
0x0: {  	(tag) =	ssettag $0x1  }
0x1: {  	s1 =	srdreg.scid;
	s0 =	stileid.u32  }
0x2: {  	s6 =	rddreg [dreg:$0x0];
	s7 =	simm.s32 $0x1;
	s1 =	sshll.u32 s1, $0x5  }
0x3: {  	s30 =	simm.s32 $0x2;
	s2 =	sshll.u32 s0, $0x6;
	s3 =	sand.u32 $0x20, s1  }
0x4: {  	s31 =	simm.s32 $0x3;
	s11 =	simm.s32 $0x0;
	s2 =	sor.u32 s2, s3  }
0x5: {  	s9 =	simm.s32 $0x0;
	s4 =	sadd.s32 $0x20200, s6;
	s5 =	ssub.s32 $0x800, s2  }
0x6: {  	s1 =	rddreg [dreg:$0x1];
	_ =	strace $0x8000004D;
	s8 =	sand.u32 $0x3E0, s5  }
0x7: {  	s3 =	sadd.s32 $0x20000, s6;
	[sflag:s7] =	ssyncpa.u1 $0x0;
	p0 =	sne.s32 s8, $0x0  }
0x8: {  	s6 =	sadd.s32 $0x120400, s6;
	s5 =	sshrl.u32 s5, $0xA;
	s7 =	simm.s32 @!p0 $0x0  }
0x9: {  	[sflag:s30] =	ssyncpa.u1 $0x0;
	s10 =	smov.u32 s2;
	s5 =	sadd.s32 s7, s5  }
0xa: {  	[sflag:s31] =	ssyncpa.u1 $0x0;
	s8 =	simm.s32 $0x0;
	s7 =	sadd.s32 $0x1, s5  }
.LBB2_1:
0xb: {  	p0 =	sge.u32 s9, s5  }
0xc: {  	s31 =	sadd.s32 $0xFFFFFFFF, s9;
	s12 =	sxor.u32 @!p0 $0xFFFFFFFF, s8;
	s13 =	sshrl.u32 @!p0 s10, $0x3  }
0xd: {  	s14 =	sand.u32 @!p0 $0x7, s10;
	s12 =	sand.u32 @!p0 $0x20, s12;
	s13 =	sadd.s32 @!p0 s4, s13  }
0xe: {  	[tilespmem:s12], [sflag:$0x2] =	stream.linear.gather @!p0 [hbm4b:s13+s14], $0x20, $0x38;
	[tilespmem:$0x80] =	vst v63  }
0xf: {  	p0 =	sge.u32 s31, s5  }
0x10: {  	s12 =	simm.s32 @!p0 $0x2  }
0x11: {  	_ =	swait.ge @!p0 [sflag:s12], $0x20  }
0x12: {  	[sflag:s12] =	ssyncset.done @!p0 $0x0  }
0x13: {  	[sflag:s12] =	ssyncadd.s32 @!p0 $0xFFFFFFE0;
	s12 =	sand.u32 @!p0 $0x20, s8  }
0x14: {  	(ifvalue) =	ssetifvalue @!p0 $0x7FFFFFFF;
	v0 =	vld.msk @!p0 [tilespmem:s12+$0x0 ss:$0x1], $0xffff;
	_ =	sdelay $0x4  }
0x15: {  	vm0 =	vgt.s32 @!p0 v0, $0x0  }
0x16: {  	v0 =	vnsel @!p0 vm0, $0x0, v0  }
0x17: {  	v0 =	vmin.u32 @!p0 v0, $0xFFF;
	_ =	sdelay $0x2  }
0x18: {  	s14 =	simm.s32 @!p0 $0x0  }
0x19: {  	s13 =	sor.u32 @!p0 $0x40, s12;
	(ifvalue) =	ssetifvalue @!p0 $0x7FFFFFFF;
	s15 =	sor.u32 @!p0 $0x10, s12;
	vm0 =	vmmov @!p0 $0xffff  }
0x1a: {  	[tilespmem:s13], [sflag:$0x1] =	stream.indirect_vreg.gather @!p0 [hbm4b:s3+s14], $0x1, v0, vm0, $0x4038;
	[tilespmem:$0x80] =	vst v63  }
0x1b: {  	v0 =	vld.msk @!p0 [tilespmem:s15+$0x0 ss:$0x1], $0xffff;
	_ =	sdelay $0x4  }
0x1c: {  	vm1 =	vgt.s32 @!p0 v0, $0x0  }
0x1d: {  	v0 =	vnsel @!p0 vm1, $0x0, v0  }
0x1e: {  	v0 =	vmin.u32 @!p0 v0, $0xFFF;
	_ =	sdelay $0x3  }
0x1f: {  	s12 =	sor.u32 @!p0 $0x50, s12;
	(ifvalue) =	ssetifvalue @!p0 $0x7FFFFFFF  }
0x20: {  	[tilespmem:s12], [sflag:$0x1] =	stream.indirect_vreg.gather @!p0 [hbm4b:s3+s14], $0x1, v0, vm0, $0x4038;
	[tilespmem:$0x80] =	vst v63  }
0x21: {  	s12 =	simm.s32 @!p0 $0x1  }
0x22: {  	_ =	swait.ge @!p0 [sflag:s12], $0x20  }
0x23: {  	s14 =	sshrl.u32 @!p0 s11, $0x3;
	[sflag:s12] =	ssyncset.done @!p0 $0x0  }
0x24: {  	s11 =	sand.u32 @!p0 $0x7, s11;
	[sflag:s12] =	ssyncadd.s32 @!p0 $0xFFFFFFE0;
	s12 =	sadd.s32 @!p0 s6, s14  }
0x25: {  	[hbm4b:s12+s11] =	stream.linear.scatter @!p0 [tilespmem:s13], [sflag:$0x3], $0x20, $0x38;
	[tilespmem:$0x80] =	vst v63  }
0x26: {  	s13 =	sadd.s32 $0x400, s10  }
0x27: {  	p1 =	sgt.s32 s13, $0x7FF  }
0x28: {  	s13 =	smov.u32 @p1 s2;
	p1 =	sne.s32 s9, s7  }
.Ltmp0:
0x29: {  	p0 =	slt.u32 s9, $0x2;
	(pc) =	sbr.rel @p1 .LBB2_1-.Ltmp0, $4  }
0x2a: {  	s12 =	simm.s32 @!p0 $0x3  }
0x2b: {  	_ =	swait.ge @!p0 [sflag:s12], $0x20  }
0x2c: {  	s8 =	sadd.s32 $0x20, s8;
	s11 =	smov.u32 s10;
	[sflag:s12] =	ssyncset.done @!p0 $0x0  }
0x2d: {  	s9 =	sadd.s32 $0x1, s9;
	s10 =	smov.u32 s13;
	[sflag:s12] =	ssyncadd.s32 @!p0 $0xFFFFFFE0  }
0x2e: {  	_ =	sfence.sel $0x180000  }
0x2f: {  	s2 =	simm.s32 $0x2;
	[bflag:$0x0] =	sbarrier.arrive $0xFFFF  }
0x30: {  	s30 =	simm.s32 $0x3;
	[sflag:s2] =	ssyncpa.u1 $0x1  }
0x31: {  	s31 =	simm.s32 $0x1;
	[sflag:s30] =	ssyncpa.u1 $0x1  }
0x32: {  	[sflag:s31] =	ssyncpa.u1 $0x1  }
0x33: {  	p0 =	sne.s32 s0, $0x0;
	_ =	strace $0x9000004D  }
0x34: {  	s0 =	sadd.s32 @!p0 $0x100000, s1;
	[bflag:$0x2] =	sbarrier.arrive $0xFFFF  }
0x35: {  	[sflag:s0] =	ssyncadd.tile.s32 @!p0 $0x1;
	_ =	shalt  }
.Lfunc_end2:
_tile_overlayer_lowered:
.L_overlay_start_2:
0x36: {  	(tag) =	ssettag $0x2  }
0x37: {  	s0 =	rddreg [dreg:$0x0];
	s2 =	stileid.u32  }
0x38: {  	s1 =	rddreg [dreg:$0x1];
	p0 =	sne.s32 s2, $0x0  }
0x39: {  	s3 =	rddreg [dreg:$0x2];
	[bflag:$0x3] =	sbarrier.arrive $0xFFFF;
	s2 =	simm.s32 @!p0 $0x1C01  }
0x3a: {  	[timem:s3], [sflag:s2] =	dma.local @!p0 [hbm:s0], s1  }
0x3b: {  	s0 =	simm.s32 @!p0 $0x1  }
0x3c: {  	_ =	swait.ge @!p0 [sflag:s0], s1  }
0x3d: {  	s1 =	ssub.s32 @!p0 $0x0, s1;
	[sflag:s0] =	ssyncset.done @!p0 $0x0  }
0x3e: {  	[sflag:s0] =	ssyncadd.s32 @!p0 s1  }
0x3f: {  	[bflag:$0x3] =	sbarrier.arrive $0xFFFF  }
0x40: {  	_ =	shalt  }

// kernel: gather_offload_async_start.2
scs
__scs_entry_jumppad:
0x0: {  	(pc) =	sbr.rel $0x88, $3  }
0x1: {  	(tag) =	ssettag $0x0;
	lr =	simm.s32 $0x1  }
0x2: {  	[smem:$0x3F30] =	sst lr;
	_ =	strace $0xD0000000  }
0x3: {  	_ = 	snop  }
0x4: {  	_ = 	snop  }
0x5: {  	_ = 	snop  }
0x6: {  	_ = 	snop  }
0x7: {  	_ = 	snop  }
__scs_overlays_trampoline_lowered:
0x8: {  	[smem:$0x3F3F] =	sst s0  }
0x9: {  	[smem:$0x3F40] =	sst s1  }
0xa: {  	[smem:$0x3F41] =	sst s2  }
0xb: {  	[smem:$0x3F42] =	sst s3  }
0xc: {  	[smem:$0x3F43] =	sst s4  }
0xd: {  	[smem:$0x3F44] =	sst s5  }
0xe: {  	[smem:$0x3F45] =	sst s6  }
0xf: {  	[smem:$0x3F46] =	sst s7  }
0x10: {  	[smem:$0x3F47] =	sst s8  }
0x11: {  	[smem:$0x3F48] =	sst s9;
	s0 =	simm.s32 @!p0 $0x0  }
0x12: {  	s1 =	sld [smem:$0x3F2E];
	s0 =	simm.s32 @p0 $0x1  }
0x13: {  	[smem:$0x3F49] =	sst s0;
	s0 =	simm.s32 @!p1 $0x0  }
0x14: {  	s2 =	sld [smem:$0x3F2D];
	s0 =	simm.s32 @p1 $0x1  }
0x15: {  	[smem:$0x3F4A] =	sst s0;
	s0 =	simm.s32 @!p2 $0x0  }
0x16: {  	s3 =	sld [smem:$0x3FDB];
	s0 =	simm.s32 @p2 $0x1  }
0x17: {  	s4 =	simm.s32 $0x1BF5;
	[smem:$0x3F4C] =	sst s0  }
0x18: {  	s0 =	sld [smem:$0x3F2F];
	_ =	swait.ge [sflag:s4], $0x0  }
0x19: {  	s7 =	sld [smem:$0x3F30]  }
0x1a: {  	s8 =	sadd.s32 $0xFFFFE003, lr  }
0x1b: {  	s9 =	sadd.s32 $0xFFFFFEF7, lr;
	s5 =	simm.s32 $0xFFFFFFFF;
	p2 =	slt.u32 s8, $0xFFFFF086  }
0x1c: {  	p1 =	slt.u32 s9, $0xF7A;
	s5 =	simm.s32 @!p2 $0x0  }
0x1d: {  	s5 =	simm.s32 @p1 $0x1;
	p0 =	seq.s32 s7, s2  }
0x1e: {  	s7 =	smul.u32 @!p0 $0xF7A, s2;
	p2 =	seq.s32 @!p0 s5, $0x0  }
0x1f: {  	s9 =	smul.u32 $0xF7A, s1;
	s8 =	simm.s32 @!p0 $0x1BF5;
	p2 =	por !p2, p0  }
0x20: {  	[sflag:s8] =	ssyncset.s32 @!p0 $0xFFFFF086;
	s6 =	sadd.s32 @!p0 s3, s7;
	s7 =	simm.s32 @!p0 $0x108  }
0x21: {  	s3 =	sadd.s32 s3, s9;
	s6 =	sadd.s32 @!p0 $0x88, s6;
	s7 =	simm.s32 @p2 $0x1082  }
0x22: {  	[simem:s7], [sflag:s8] =	dma.local @!p0 [hbm:s6], $0xF7A  }
0x23: {  	s9 =	sor.u32 $0xD0000000, s2;
	s6 =	simm.s32 $0x108;
	_ =	swait.ge @!p0 [sflag:s8], $0x0  }
0x24: {  	s3 =	sadd.s32 $0x88, s3;
	s6 =	simm.s32 @!p1 $0x1082;
	[sflag:s4] =	ssyncset.s32 $0xFFFFF086  }
0x25: {  	[simem:s6], [sflag:s4] =	dma.local [hbm:s3], $0xF7A  }
0x26: {  	[smem:$0x3F30] =	sst s1;
	(tag) =	ssettag s2;
	_ =	strace s9  }
0x27: {  	s1 =	sld [smem:$0x3F40]  }
0x28: {  	s2 =	sld [smem:$0x3F41]  }
0x29: {  	s4 =	sld [smem:$0x3F43]  }
0x2a: {  	p0 =	seq.s32 s5, $0x0;
	s5 =	sld [smem:$0x3F44]  }
0x2b: {  	s6 =	sld [smem:$0x3F45]  }
0x2c: {  	s7 =	sld [smem:$0x3F46]  }
0x2d: {  	s3 =	simm.s32 $0x108;
	s8 =	sld [smem:$0x3F47]  }
0x2e: {  	s3 =	simm.s32 @!p0 $0x1082;
	s9 =	sld [smem:$0x3F48]  }
0x2f: {  	lr =	sadd.s32 s0, s3;
	s0 =	sld [smem:$0x3F3F]  }
0x30: {  	s3 =	sld [smem:$0x3F42]  }
0x31: {  	[smem:$0x3F4B] =	sst s10  }
0x32: {  	s10 =	sld [smem:$0x3F49];
	_ =	sdelay $0x3  }
0x33: {  	p0 =	seq.s32 s10, $0x1;
	s10 =	sld [smem:$0x3F4B];
	_ =	sdelay $0x3  }
0x34: {  	[smem:$0x3F4B] =	sst s10  }
0x35: {  	s10 =	sld [smem:$0x3F4A];
	_ =	sdelay $0x3  }
0x36: {  	p1 =	seq.s32 s10, $0x1;
	s10 =	sld [smem:$0x3F4B];
	_ =	sdelay $0x3  }
0x37: {  	[smem:$0x3F4B] =	sst s10  }
0x38: {  	s10 =	sld [smem:$0x3F4C]  }
0x39: {  	_ = 	snop;
	(pc) =	sbr.ind lr, $3  }
0x3a: {  	_ = 	snop  }
0x3b: {  	_ = 	snop  }
0x3c: {  	p2 =	seq.s32 s10, $0x1;
	s10 =	sld [smem:$0x3F4B]  }
0x3d: {  	_ =	shalt  }
0x3e: {  	_ =	shalt  }
0x3f: {  	_ =	shalt  }
0x40: {  	_ =	shalt  }
0x41: {  	_ =	shalt  }
0x42: {  	_ =	shalt  }
0x43: {  	_ =	shalt  }
0x44: {  	_ =	shalt  }
0x45: {  	_ =	shalt  }
0x46: {  	_ =	shalt  }
0x47: {  	_ =	shalt  }
0x48: {  	_ =	shalt  }
0x49: {  	_ =	shalt  }
0x4a: {  	_ =	shalt  }
0x4b: {  	_ =	shalt  }
0x4c: {  	_ =	shalt  }
0x4d: {  	_ =	shalt  }
0x4e: {  	_ =	shalt  }
0x4f: {  	_ =	shalt  }
0x50: {  	_ =	shalt  }
0x51: {  	_ =	shalt  }
0x52: {  	_ =	shalt  }
0x53: {  	_ =	shalt  }
0x54: {  	_ =	shalt  }
0x55: {  	_ =	shalt  }
0x56: {  	_ =	shalt  }
0x57: {  	_ =	shalt  }
0x58: {  	_ =	shalt  }
0x59: {  	_ =	shalt  }
0x5a: {  	_ =	shalt  }
0x5b: {  	_ =	shalt  }
0x5c: {  	_ =	shalt  }
0x5d: {  	_ =	shalt  }
0x5e: {  	_ =	shalt  }
0x5f: {  	_ =	shalt  }
0x60: {  	_ =	shalt  }
0x61: {  	_ =	shalt  }
0x62: {  	_ =	shalt  }
0x63: {  	_ =	shalt  }
0x64: {  	_ =	shalt  }
0x65: {  	_ =	shalt  }
0x66: {  	_ =	shalt  }
0x67: {  	_ =	shalt  }
0x68: {  	_ =	shalt  }
0x69: {  	_ =	shalt  }
0x6a: {  	_ =	shalt  }
0x6b: {  	_ =	shalt  }
0x6c: {  	_ =	shalt  }
0x6d: {  	_ =	shalt  }
0x6e: {  	_ =	shalt  }
0x6f: {  	_ =	shalt  }
0x70: {  	_ =	shalt  }
0x71: {  	_ =	shalt  }
0x72: {  	_ =	shalt  }
0x73: {  	_ =	shalt  }
0x74: {  	_ =	shalt  }
0x75: {  	_ =	shalt  }
0x76: {  	_ =	shalt  }
0x77: {  	_ =	shalt  }
0x78: {  	_ =	shalt  }
0x79: {  	_ =	shalt  }
0x7a: {  	_ =	shalt  }
0x7b: {  	_ =	shalt  }
0x7c: {  	_ =	shalt  }
0x7d: {  	_ =	shalt  }
0x7e: {  	_ =	shalt  }
0x7f: {  	_ =	shalt  }
0x80: {  	_ =	shalt  }
0x81: {  	_ =	shalt  }
0x82: {  	_ =	shalt  }
0x83: {  	_ =	shalt  }
0x84: {  	_ =	shalt  }
0x85: {  	_ =	shalt  }
0x86: {  	_ =	shalt  }
0x87: {  	_ =	shalt  }
.Lfunc_end0:
.L_simem_size_0:
called_computation.3_lowered:
.L_overlay_start_0:
0x88: {  	s2 =	sld [smem:$0x3FD9]  }
0x89: {  	s3 =	sld [smem:$0x3FFE];
	_ =	sdelay $0x1  }
0x8a: {  	s1 =	srdreg.scid  }
0x8b: {  	s0 =	sand.u32 $0x1, s1  }
0x8c: {  	s16 =	sshll.u32 s0, $0xA;
	s2 =	sadd.s32 s3, s2  }
0x8d: {  	s2 =	sadd.s32 s2, s16  }
0x8e: {  	[smem:$0x3F57] =	sst s2  }
0x8f: {  	_ = 	snop  }
0x90: {  	(tm) =	ssettm $0x1  }
0x91: {  	s17 =	sld [smem:$0x3FFB];
	_ =	sdelay $0x3  }
0x92: {  	_ =	strace s17  }
0x93: {  	s2 =	sld [smem:$0x3FFC];
	_ =	sdelay $0x3  }
0x94: {  	_ =	strace s2  }
0x95: {  	s2 =	sld [smem:$0x3FFD];
	_ =	sdelay $0x3  }
0x96: {  	_ =	strace s2  }
0x97: {  	_ =	strace $0x8FFFFFFF  }
0x98: {  	s18 =	sld [smem:$0x3FDB];
	_ =	sdelay $0x1  }
0x99: {  	s19 =	simm.s32 $_scs_section_size  }
0x9a: {  	s4 =	simm.s32 $_size__tile_overlayer_lowered;
	s5 =	simm.s32 $_tile_overlayer_lowered  }
0x9b: {  	s22 =	simm.s32 $0x1BFF;
	s21 =	sshll.u32 s5, $0x1;
	s2 =	sadd.s32 s19, s18  }
0x9c: {  	s6 =	simm.s32 $0x0;
	s20 =	sshll.u32 s4, $0x1;
	s4 =	sadd.s32 s21, s2  }
0x9d: {  	[timem:s6], [sflag:s22] =	dma.local [hbm:s4], s20  }
0x9e: {  	_ =	swait.ge [sflag:s22], s20  }
0x9f: {  	s3 =	ssub.s32 $0x0, s20;
	[sflag:s22] =	ssyncset.done $0x0  }
0xa0: {  	[sflag:s22] =	ssyncadd.s32 s3;
	_ =	sdelay $0x1  }
0xa1: {  	s23 =	simm.s32 $0x1B8B  }
0xa2: {  	_ =	swait.ge [sflag:s23], $0x1  }
0xa3: {  	[sflag:s23] =	ssyncset.done $0x0  }
0xa4: {  	s25 =	simm.s32 $0x1B8E;
	s24 =	sld [smem:$0x3FFE];
	[sflag:s23] =	ssyncadd.s32 $0xFFFFFFFF  }
0xa5: {  	s26 =	simm.s32 $execute0_lowered;
	[smem:$0x3FD2] =	sst s25  }
0xa6: {  	s4 =	sshll.u32 s26, $0x1;
	_ =	strace $0x80000046;
	[dreg:$0x1] =	wrdreg $0xFFFFFFFF  }
0xa7: {  	s28 =	simm.s32 $_size_execute0_lowered;
	s2 =	sadd.s32 s2, s4;
	[dreg:$0x0] =	wrdreg $0x0  }
0xa8: {  	s4 =	sshll.u32 s28, $0x1;
	[dreg:$0x2] =	wrdreg s2  }
0xa9: {  	[dreg:$0x3] =	wrdreg s4  }
0xaa: {  	[dreg:$0x4] =	wrdreg $0xC0  }
0xab: {  	_ =	task [dreg:s6], $0x5FFFF  }
0xac: {  	[dreg:$0x1] =	wrdreg $0xFFFFFFFF  }
0xad: {  	[dreg:$0x0] =	wrdreg $0x60  }
0xae: {  	[dreg:$0x2] =	wrdreg s24  }
0xaf: {  	[dreg:$0x3] =	wrdreg $0x9  }
0xb0: {  	_ =	task.clear_ibuf [dreg:s6], $0x4FFFF;
	_ =	strace $0x90000046  }
0xb1: {  	s29 =	simm.s32 $0x9;
	_ =	strace $0x80000048  }
0xb2: {  	_ =	swait.ge [sflag:s29], $0x1  }
0xb3: {  	[sflag:s29] =	ssyncadd.s32 $0xFFFFFFFF  }
0xb4: {  	_ =	strace $0x90000048  }
0xb5: {  	_ =	sfence  }
0xb6: {  	s30 =	sld [smem:$0x0];
	_ =	sdelay $0x2  }
0xb7: {  	s31 =	sshll.u32 s1, $0xD;
	s1 =	sshrl.u32 s1, $0x2  }
0xb8: {  	s3 =	sand.u32 $0x4000, s31;
	s1 =	sadd.s32 s1, s30  }
0xb9: {  	s0 =	sor.u32 s3, s0;
	s1 =	sshll.u32 s1, $0x11  }
0xba: {  	s0 =	sor.u32 s1, s0  }
0xbb: {  	s0 =	sadd.s32 $0x8F2B, s0  }
0xbc: {  	[sflag:s0] =	ssyncadd.remote.s32 $0x1  }
0xbd: {  	_ =	sfence.sel $0xFFFF  }
0xbe: {  	[dreg:$0x0] =	wrdreg $0xFFFFFFFF;
	(pc) =	sbr.abs _section_cstart, $3  }
0xbf: {  	[dreg:$0x1] =	wrdreg $0xFFFFFFFF  }
0xc0: {  	_ =	task.clear_ibuf [dreg:s6], $0x2FFFF;
	_ =	strace $0x9FFFFFFF  }
0xc1: {  	(tm) =	ssettm $0x7FFFFFFF  }
tec
execute0_lowered:
.L_overlay_start_1:
0x0: {  	(tag) =	ssettag $0x1  }
0x1: {  	s7 =	rddreg [dreg:$0x0]  }
0x2: {  	s0 =	rddreg [dreg:$0x1];
	_ =	strace $0x80000047  }
0x3: {  	s1 =	srdreg.scid;
	s4 =	simm.s32 $0x1;
	s9 =	simm.s32 $0x3  }
0x4: {  	s11 =	simm.s32 $0x0;
	p0 =	por $0x0, $0x0;
	s5 =	sshll.u32 s1, $0x4  }
.Ltmp0:
0x5: {  	s1 =	stileid.u32;
	s5 =	sand.u32 $0x10, s5;
	(pc) =	sbr.rel .LBB2_1-.Ltmp0, $4  }
0x6: {  	s2 =	sadd.s32 $0x80000, s7;
	s3 =	sadd.s32 $0x20200, s7;
	s6 =	sor.u32 s1, s5  }
0x7: {  	[sflag:s4] =	ssyncpa.u1 $0x0;
	s5 =	simm.s32 $0x2;
	s6 =	sshll.u32 s6, $0x6  }
0x8: {  	s7 =	sadd.s32 $0x280000, s7;
	[sflag:s5] =	ssyncpa.u1 $0x0;
	s8 =	sadd.s32 $0x40, s6  }
0x9: {  	vm0 =	vmmov $0xff;
	[sflag:s9] =	ssyncpa.u1 $0x0;
	s10 =	smov.u32 s6;
	s9 =	simm.s32 $0x0  }
.LBB2_5:
0xa: {  	p1 =	slt.u32 s9, $0x2;
	s11 =	sadd.s32 $0x8, s10  }
0xb: {  	s13 =	smov.u32 s6;
	s9 =	sadd.s32 $0x1, s9;
	p2 =	slt.s32 s11, s8  }
0xc: {  	s13 =	smov.u32 @p2 s11;
	p2 =	sne.s32 s9, $0xA  }
.Ltmp1:
0xd: {  	_ = 	snop;
	(pc) =	sbr.rel @!p2 .LBB2_6-.Ltmp1, $4  }
0xe: {  	s12 =	simm.s32 @!p1 $0x3  }
0xf: {  	_ =	swait.ge @!p1 [sflag:s12], $0x8000  }
0x10: {  	p0 =	por !p0, !p0;
	[sflag:s12] =	ssyncset.done @!p1 $0x0  }
0x11: {  	s11 =	smov.u32 s10;
	s10 =	smov.u32 s13;
	[sflag:s12] =	ssyncadd.s32 @!p1 $0xFFFF8000  }
.LBB2_1:
0x12: {  	p1 =	sgt.u32 s9, $0x7  }
0x13: {  	s12 =	sxor.u32 @!p1 $0xFFFFFFFF, s9  }
0x14: {  	s13 =	sshrl.u32 @!p1 s10, $0x3;
	s12 =	sshll.u32 @!p1 s12, $0x3  }
0x15: {  	s14 =	sand.u32 @!p1 $0x7, s10;
	s13 =	sadd.s32 @!p1 s3, s13;
	s12 =	sand.u32 @!p1 $0x8, s12  }
0x16: {  	[tilespmem:s12], [sflag:$0x2] =	stream.linear.gather @!p1 [hbm4b:s13+s14], $0x8, $0x38;
	[tilespmem:$0x10010] =	vst v63  }
0x17: {  	p1 =	seq.s32 s9, $0x0  }
0x18: {  	p2 =	seq.s32 @!p1 s9, $0x9  }
0x19: {  	p1 =	por p1, p2  }
.Ltmp2:
0x1a: {  	_ = 	snop;
	(pc) =	sbr.rel @p1 .LBB2_5-.Ltmp2, $1  }
0x1b: {  	_ =	sdelay $0x3  }
0x1c: {  	_ =	swait.ge [sflag:s5], $0x8  }
0x1d: {  	s12 =	sand.u32 $0x1, s9;
	[sflag:s5] =	ssyncset.done $0x0  }
0x1e: {  	s13 =	sshll.u32 s12, $0x3;
	[sflag:s5] =	ssyncadd.s32 $0xFFFFFFF8  }
0x1f: {  	v0 =	vld.msk [tilespmem:s13+$0x0 ss:$0x1], $0xff;
	_ =	sdelay $0x4  }
0x20: {  	vm1 =	vgt.s32 v0, $0x0  }
0x21: {  	v0 =	vnsel vm1, $0x0, v0  }
0x22: {  	v0 =	vmin.u32 v0, $0xFFF  }
0x23: {  	v1 =	vshll.u32 v0, $0x9;
	v0 =	vshll.u32 v0, $0x4  }
0x24: {  	v1 =	vand.u32 $0x1FF000, v1;
	v0 =	vand.u32 $0x70, v0  }
0x25: {  	s13 =	simm.s32 $0x1;
	v0 =	vor.u32 v0, v1  }
0x26: {  	s13 =	simm.s32 @!p0 $0x0  }
0x27: {  	s13 =	sshll.u32 s13, $0xF  }
0x28: {  	s12 =	sshll.u32 s12, $0xF;
	s13 =	sor.u32 $0x10, s13  }
0x29: {  	s14 =	simm.s32 $0x1000;
	s12 =	sor.u32 $0x10, s12;
	s15 =	sadd.s32 $0x0, s13  }
.LBB2_3:
0x2a: {  	[tilespmem:s15], [sflag:$0x1] =	stream.indirect_vreg.gather [hbm:s2], $0x80, v0, vm0, $0x38;
	[tilespmem:$0x10010] =	vst v63  }
0x2b: {  	v0 =	vadd.s32 $0x80, v0;
	s15 =	smov.u32 s14;
	p1 =	sne.s32 s14, $0x1F000  }
.Ltmp3:
0x2c: {  	s14 =	sadd.s32 $0x1000, s14;
	(pc) =	sbr.rel @p1 .LBB2_3-.Ltmp3, $3  }
0x2d: {  	_ =	sdelay $0x1  }
0x2e: {  	s15 =	sshra.s32 s15, $0x2  }
0x2f: {  	s15 =	sadd.s32 s15, s13  }
0x30: {  	_ =	sdelay $0x3  }
0x31: {  	[tilespmem:s15], [sflag:$0x1] =	stream.indirect_vreg.gather [hbm:s2], $0x80, v0, vm0, $0x38;
	[tilespmem:$0x10010] =	vst v63  }
.Ltmp4:
0x32: {  	s13 =	sshll.u32 s11, $0x4;
	(pc) =	sbr.rel .LBB2_5-.Ltmp4, $4  }
0x33: {  	s31 =	sshll.u32 s11, $0x9;
	_ =	swait.ge [sflag:s4], $0x8000;
	s13 =	sand.u32 $0x70, s13  }
0x34: {  	s11 =	sand.u32 $0xFFFFF000, s31;
	[sflag:s4] =	ssyncset.done $0x0;
	s13 =	sadd.s32 s7, s13  }
0x35: {  	[sflag:s4] =	ssyncadd.s32 $0xFFFF8000;
	s11 =	sadd.s32 s11, s13  }
0x36: {  	[hbm:s11] =	stream.linear.scatter [tilespmem:s12], [sflag:$0x3], $0x8000, $0x38;
	[tilespmem:$0x10010] =	vst v63  }
.LBB2_6:
0x37: {  	_ =	sfence.sel $0x180000  }
0x38: {  	s2 =	simm.s32 $0x2;
	[bflag:$0x0] =	sbarrier.arrive $0xFFFF  }
0x39: {  	s30 =	simm.s32 $0x3;
	[sflag:s2] =	ssyncpa.u1 $0x1  }
0x3a: {  	s31 =	simm.s32 $0x1;
	[sflag:s30] =	ssyncpa.u1 $0x1  }
0x3b: {  	[sflag:s31] =	ssyncpa.u1 $0x1  }
0x3c: {  	p0 =	sne.s32 s1, $0x0;
	_ =	strace $0x90000047  }
0x3d: {  	s0 =	sadd.s32 @!p0 $0x100000, s0;
	[bflag:$0x2] =	sbarrier.arrive $0xFFFF  }
0x3e: {  	[sflag:s0] =	ssyncadd.tile.s32 @!p0 $0x1;
	_ =	shalt  }
.Lfunc_end2:
_tile_overlayer_lowered:
.L_overlay_start_2:
0x3f: {  	(tag) =	ssettag $0x2  }
0x40: {  	s0 =	rddreg [dreg:$0x0];
	s2 =	stileid.u32  }
0x41: {  	s1 =	rddreg [dreg:$0x1];
	p0 =	sne.s32 s2, $0x0  }
0x42: {  	s3 =	rddreg [dreg:$0x2];
	[bflag:$0x3] =	sbarrier.arrive $0xFFFF;
	s2 =	simm.s32 @!p0 $0x1C01  }
0x43: {  	[timem:s3], [sflag:s2] =	dma.local @!p0 [hbm:s0], s1  }
0x44: {  	s0 =	simm.s32 @!p0 $0x1  }
0x45: {  	_ =	swait.ge @!p0 [sflag:s0], s1  }
0x46: {  	s1 =	ssub.s32 @!p0 $0x0, s1;
	[sflag:s0] =	ssyncset.done @!p0 $0x0  }
0x47: {  	[sflag:s0] =	ssyncadd.s32 @!p0 s1  }
0x48: {  	[bflag:$0x3] =	sbarrier.arrive $0xFFFF  }
0x49: {  	_ =	shalt  }

// kernel: gather_offload_async_start.3
scs
__scs_entry_jumppad:
0x0: {  	(pc) =	sbr.rel $0x88, $3  }
0x1: {  	(tag) =	ssettag $0x0;
	lr =	simm.s32 $0x1  }
0x2: {  	[smem:$0x3F30] =	sst lr;
	_ =	strace $0xD0000000  }
0x3: {  	_ = 	snop  }
0x4: {  	_ = 	snop  }
0x5: {  	_ = 	snop  }
0x6: {  	_ = 	snop  }
0x7: {  	_ = 	snop  }
__scs_overlays_trampoline_lowered:
0x8: {  	[smem:$0x3F3F] =	sst s0  }
0x9: {  	[smem:$0x3F40] =	sst s1  }
0xa: {  	[smem:$0x3F41] =	sst s2  }
0xb: {  	[smem:$0x3F42] =	sst s3  }
0xc: {  	[smem:$0x3F43] =	sst s4  }
0xd: {  	[smem:$0x3F44] =	sst s5  }
0xe: {  	[smem:$0x3F45] =	sst s6  }
0xf: {  	[smem:$0x3F46] =	sst s7  }
0x10: {  	[smem:$0x3F47] =	sst s8  }
0x11: {  	[smem:$0x3F48] =	sst s9;
	s0 =	simm.s32 @!p0 $0x0  }
0x12: {  	s1 =	sld [smem:$0x3F2E];
	s0 =	simm.s32 @p0 $0x1  }
0x13: {  	[smem:$0x3F49] =	sst s0;
	s0 =	simm.s32 @!p1 $0x0  }
0x14: {  	s2 =	sld [smem:$0x3F2D];
	s0 =	simm.s32 @p1 $0x1  }
0x15: {  	[smem:$0x3F4A] =	sst s0;
	s0 =	simm.s32 @!p2 $0x0  }
0x16: {  	s3 =	sld [smem:$0x3FDB];
	s0 =	simm.s32 @p2 $0x1  }
0x17: {  	s4 =	simm.s32 $0x1BF5;
	[smem:$0x3F4C] =	sst s0  }
0x18: {  	s0 =	sld [smem:$0x3F2F];
	_ =	swait.ge [sflag:s4], $0x0  }
0x19: {  	s7 =	sld [smem:$0x3F30]  }
0x1a: {  	s8 =	sadd.s32 $0xFFFFE003, lr  }
0x1b: {  	s9 =	sadd.s32 $0xFFFFFEF7, lr;
	s5 =	simm.s32 $0xFFFFFFFF;
	p2 =	slt.u32 s8, $0xFFFFF086  }
0x1c: {  	p1 =	slt.u32 s9, $0xF7A;
	s5 =	simm.s32 @!p2 $0x0  }
0x1d: {  	s5 =	simm.s32 @p1 $0x1;
	p0 =	seq.s32 s7, s2  }
0x1e: {  	s7 =	smul.u32 @!p0 $0xF7A, s2;
	p2 =	seq.s32 @!p0 s5, $0x0  }
0x1f: {  	s9 =	smul.u32 $0xF7A, s1;
	s8 =	simm.s32 @!p0 $0x1BF5;
	p2 =	por !p2, p0  }
0x20: {  	[sflag:s8] =	ssyncset.s32 @!p0 $0xFFFFF086;
	s6 =	sadd.s32 @!p0 s3, s7;
	s7 =	simm.s32 @!p0 $0x108  }
0x21: {  	s3 =	sadd.s32 s3, s9;
	s6 =	sadd.s32 @!p0 $0x88, s6;
	s7 =	simm.s32 @p2 $0x1082  }
0x22: {  	[simem:s7], [sflag:s8] =	dma.local @!p0 [hbm:s6], $0xF7A  }
0x23: {  	s9 =	sor.u32 $0xD0000000, s2;
	s6 =	simm.s32 $0x108;
	_ =	swait.ge @!p0 [sflag:s8], $0x0  }
0x24: {  	s3 =	sadd.s32 $0x88, s3;
	s6 =	simm.s32 @!p1 $0x1082;
	[sflag:s4] =	ssyncset.s32 $0xFFFFF086  }
0x25: {  	[simem:s6], [sflag:s4] =	dma.local [hbm:s3], $0xF7A  }
0x26: {  	[smem:$0x3F30] =	sst s1;
	(tag) =	ssettag s2;
	_ =	strace s9  }
0x27: {  	s1 =	sld [smem:$0x3F40]  }
0x28: {  	s2 =	sld [smem:$0x3F41]  }
0x29: {  	s4 =	sld [smem:$0x3F43]  }
0x2a: {  	p0 =	seq.s32 s5, $0x0;
	s5 =	sld [smem:$0x3F44]  }
0x2b: {  	s6 =	sld [smem:$0x3F45]  }
0x2c: {  	s7 =	sld [smem:$0x3F46]  }
0x2d: {  	s3 =	simm.s32 $0x108;
	s8 =	sld [smem:$0x3F47]  }
0x2e: {  	s3 =	simm.s32 @!p0 $0x1082;
	s9 =	sld [smem:$0x3F48]  }
0x2f: {  	lr =	sadd.s32 s0, s3;
	s0 =	sld [smem:$0x3F3F]  }
0x30: {  	s3 =	sld [smem:$0x3F42]  }
0x31: {  	[smem:$0x3F4B] =	sst s10  }
0x32: {  	s10 =	sld [smem:$0x3F49];
	_ =	sdelay $0x3  }
0x33: {  	p0 =	seq.s32 s10, $0x1;
	s10 =	sld [smem:$0x3F4B];
	_ =	sdelay $0x3  }
0x34: {  	[smem:$0x3F4B] =	sst s10  }
0x35: {  	s10 =	sld [smem:$0x3F4A];
	_ =	sdelay $0x3  }
0x36: {  	p1 =	seq.s32 s10, $0x1;
	s10 =	sld [smem:$0x3F4B];
	_ =	sdelay $0x3  }
0x37: {  	[smem:$0x3F4B] =	sst s10  }
0x38: {  	s10 =	sld [smem:$0x3F4C]  }
0x39: {  	_ = 	snop;
	(pc) =	sbr.ind lr, $3  }
0x3a: {  	_ = 	snop  }
0x3b: {  	_ = 	snop  }
0x3c: {  	p2 =	seq.s32 s10, $0x1;
	s10 =	sld [smem:$0x3F4B]  }
0x3d: {  	_ =	shalt  }
0x3e: {  	_ =	shalt  }
0x3f: {  	_ =	shalt  }
0x40: {  	_ =	shalt  }
0x41: {  	_ =	shalt  }
0x42: {  	_ =	shalt  }
0x43: {  	_ =	shalt  }
0x44: {  	_ =	shalt  }
0x45: {  	_ =	shalt  }
0x46: {  	_ =	shalt  }
0x47: {  	_ =	shalt  }
0x48: {  	_ =	shalt  }
0x49: {  	_ =	shalt  }
0x4a: {  	_ =	shalt  }
0x4b: {  	_ =	shalt  }
0x4c: {  	_ =	shalt  }
0x4d: {  	_ =	shalt  }
0x4e: {  	_ =	shalt  }
0x4f: {  	_ =	shalt  }
0x50: {  	_ =	shalt  }
0x51: {  	_ =	shalt  }
0x52: {  	_ =	shalt  }
0x53: {  	_ =	shalt  }
0x54: {  	_ =	shalt  }
0x55: {  	_ =	shalt  }
0x56: {  	_ =	shalt  }
0x57: {  	_ =	shalt  }
0x58: {  	_ =	shalt  }
0x59: {  	_ =	shalt  }
0x5a: {  	_ =	shalt  }
0x5b: {  	_ =	shalt  }
0x5c: {  	_ =	shalt  }
0x5d: {  	_ =	shalt  }
0x5e: {  	_ =	shalt  }
0x5f: {  	_ =	shalt  }
0x60: {  	_ =	shalt  }
0x61: {  	_ =	shalt  }
0x62: {  	_ =	shalt  }
0x63: {  	_ =	shalt  }
0x64: {  	_ =	shalt  }
0x65: {  	_ =	shalt  }
0x66: {  	_ =	shalt  }
0x67: {  	_ =	shalt  }
0x68: {  	_ =	shalt  }
0x69: {  	_ =	shalt  }
0x6a: {  	_ =	shalt  }
0x6b: {  	_ =	shalt  }
0x6c: {  	_ =	shalt  }
0x6d: {  	_ =	shalt  }
0x6e: {  	_ =	shalt  }
0x6f: {  	_ =	shalt  }
0x70: {  	_ =	shalt  }
0x71: {  	_ =	shalt  }
0x72: {  	_ =	shalt  }
0x73: {  	_ =	shalt  }
0x74: {  	_ =	shalt  }
0x75: {  	_ =	shalt  }
0x76: {  	_ =	shalt  }
0x77: {  	_ =	shalt  }
0x78: {  	_ =	shalt  }
0x79: {  	_ =	shalt  }
0x7a: {  	_ =	shalt  }
0x7b: {  	_ =	shalt  }
0x7c: {  	_ =	shalt  }
0x7d: {  	_ =	shalt  }
0x7e: {  	_ =	shalt  }
0x7f: {  	_ =	shalt  }
0x80: {  	_ =	shalt  }
0x81: {  	_ =	shalt  }
0x82: {  	_ =	shalt  }
0x83: {  	_ =	shalt  }
0x84: {  	_ =	shalt  }
0x85: {  	_ =	shalt  }
0x86: {  	_ =	shalt  }
0x87: {  	_ =	shalt  }
.Lfunc_end0:
.L_simem_size_0:
called_computation.4_lowered:
.L_overlay_start_0:
0x88: {  	s2 =	sld [smem:$0x3FD9]  }
0x89: {  	s3 =	sld [smem:$0x3FFE];
	_ =	sdelay $0x1  }
0x8a: {  	s1 =	srdreg.scid  }
0x8b: {  	s0 =	sand.u32 $0x1, s1  }
0x8c: {  	s17 =	sshll.u32 s0, $0xA;
	s2 =	sadd.s32 s3, s2  }
0x8d: {  	s2 =	sadd.s32 s2, s17  }
0x8e: {  	[smem:$0x3F57] =	sst s2  }
0x8f: {  	_ = 	snop  }
0x90: {  	(tm) =	ssettm $0x1  }
0x91: {  	s18 =	sld [smem:$0x3FFB];
	_ =	sdelay $0x3  }
0x92: {  	_ =	strace s18  }
0x93: {  	s2 =	sld [smem:$0x3FFC];
	_ =	sdelay $0x3  }
0x94: {  	_ =	strace s2  }
0x95: {  	s2 =	sld [smem:$0x3FFD];
	_ =	sdelay $0x3  }
0x96: {  	_ =	strace s2  }
0x97: {  	_ =	strace $0x8FFFFFFF  }
0x98: {  	s19 =	sld [smem:$0x3FDB];
	_ =	sdelay $0x1  }
0x99: {  	s20 =	simm.s32 $_scs_section_size  }
0x9a: {  	s4 =	simm.s32 $_size__tile_overlayer_lowered;
	s5 =	simm.s32 $_tile_overlayer_lowered  }
0x9b: {  	s6 =	simm.s32 $0x1BFF;
	s21 =	sshll.u32 s5, $0x1;
	s3 =	sadd.s32 s20, s19  }
0x9c: {  	s22 =	simm.s32 $0x0;
	s4 =	sshll.u32 s4, $0x1;
	s5 =	sadd.s32 s21, s3  }
0x9d: {  	[timem:s22], [sflag:s6] =	dma.local [hbm:s5], s4  }
0x9e: {  	_ =	swait.ge [sflag:s6], s4  }
0x9f: {  	s4 =	ssub.s32 $0x0, s4;
	[sflag:s6] =	ssyncset.done $0x0  }
0xa0: {  	[sflag:s6] =	ssyncadd.s32 s4;
	_ =	sdelay $0x1  }
0xa1: {  	s23 =	simm.s32 $0x1B8B  }
0xa2: {  	_ =	swait.ge [sflag:s23], $0x1  }
0xa3: {  	[sflag:s23] =	ssyncset.done $0x0  }
0xa4: {  	[sflag:s23] =	ssyncadd.s32 $0xFFFFFFFF  }
0xa5: {  	s4 =	sld [smem:$0x0]  }
0xa6: {  	s5 =	sand.u32 $0xFFFFFFFE, s1  }
0xa7: {  	p0 =	sne.s32 s1, s5  }
0xa8: {  	s5 =	sshll.u32 @p0 s5, $0xE  }
0xa9: {  	s5 =	sadd.s32 @p0 $0x11B8D, s5;
	s6 =	sshll.u32 @p0 s4, $0x11  }
0xaa: {  	s5 =	sor.u32 @p0 s6, s5  }
0xab: {  	[sflag:s5] =	ssyncadd.remote.s32 @p0 $0x1;
	_ =	sdelay $0x1  }
0xac: {  	s5 =	simm.s32 @p0 $0x1B8D  }
0xad: {  	_ =	swait.eq @p0 [sflag:s5], $0x1  }
0xae: {  	[sflag:s5] =	ssyncadd.s32 @p0 $0xFFFFFFFF  }
0xaf: {  	s6 =	sshll.u32 @!p0 s1, $0xE  }
0xb0: {  	s6 =	sor.u32 @!p0 $0x4000, s6;
	s5 =	simm.s32 @!p0 $0x1B8D  }
0xb1: {  	s4 =	sshll.u32 @!p0 s4, $0x11;
	s6 =	sadd.s32 @!p0 $0x11B8D, s6;
	_ =	swait.eq @!p0 [sflag:s5], $0x1  }
0xb2: {  	s4 =	sor.u32 @!p0 s4, s6;
	[sflag:s5] =	ssyncadd.s32 @!p0 $0xFFFFFFFF  }
0xb3: {  	s25 =	simm.s32 $0x1B8E;
	s24 =	sld [smem:$0x3FFE];
	[sflag:s4] =	ssyncadd.remote.s32 @!p0 $0x1  }
0xb4: {  	s26 =	simm.s32 $execute0_lowered;
	[smem:$0x3FD2] =	sst s25  }
0xb5: {  	s5 =	sshll.u32 s26, $0x1;
	_ =	strace $0x80000052;
	[dreg:$0x1] =	wrdreg $0xFFFFFFFF  }
0xb6: {  	s28 =	simm.s32 $_size_execute0_lowered;
	s3 =	sadd.s32 s3, s5;
	[dreg:$0x0] =	wrdreg $0x0  }
0xb7: {  	s5 =	sshll.u32 s28, $0x1;
	[dreg:$0x2] =	wrdreg s3  }
0xb8: {  	[dreg:$0x3] =	wrdreg s5  }
0xb9: {  	[dreg:$0x4] =	wrdreg $0xC0  }
0xba: {  	_ =	task [dreg:s22], $0x5FFFF  }
0xbb: {  	[dreg:$0x1] =	wrdreg $0xFFFFFFFF  }
0xbc: {  	[dreg:$0x0] =	wrdreg $0x60  }
0xbd: {  	[dreg:$0x2] =	wrdreg s24  }
0xbe: {  	[dreg:$0x3] =	wrdreg $0xB  }
0xbf: {  	_ =	task.clear_ibuf [dreg:s22], $0x4FFFF;
	_ =	strace $0x90000052  }
0xc0: {  	s29 =	simm.s32 $0xB;
	_ =	strace $0x80000054  }
0xc1: {  	_ =	swait.ge [sflag:s29], $0x1  }
0xc2: {  	[sflag:s29] =	ssyncadd.s32 $0xFFFFFFFF  }
0xc3: {  	_ =	strace $0x90000054  }
0xc4: {  	_ =	sfence  }
0xc5: {  	s30 =	sld [smem:$0x0];
	_ =	sdelay $0x2  }
0xc6: {  	s31 =	sshll.u32 s1, $0xD;
	s1 =	sshrl.u32 s1, $0x2  }
0xc7: {  	s4 =	sand.u32 $0x4000, s31;
	s1 =	sadd.s32 s1, s30  }
0xc8: {  	s0 =	sor.u32 s4, s0;
	s1 =	sshll.u32 s1, $0x11  }
0xc9: {  	s0 =	sor.u32 s1, s0  }
0xca: {  	s0 =	sadd.s32 $0x8F2B, s0  }
0xcb: {  	[sflag:s0] =	ssyncadd.remote.s32 $0x1  }
0xcc: {  	_ =	sfence.sel $0xFFFF  }
0xcd: {  	[dreg:$0x0] =	wrdreg $0xFFFFFFFF;
	(pc) =	sbr.abs _section_cstart, $3  }
0xce: {  	[dreg:$0x1] =	wrdreg $0xFFFFFFFF  }
0xcf: {  	_ =	task.clear_ibuf [dreg:s22], $0x2FFFF;
	_ =	strace $0x9FFFFFFF  }
0xd0: {  	(tm) =	ssettm $0x7FFFFFFF  }
0xd1: {  	_ =	shalt  }
tec
execute0_lowered:
.L_overlay_start_1:
0x0: {  	(tag) =	ssettag $0x1  }
0x1: {  	s7 =	rddreg [dreg:$0x0]  }
0x2: {  	s0 =	rddreg [dreg:$0x1];
	_ =	strace $0x80000053  }
0x3: {  	s1 =	srdreg.scid;
	s4 =	simm.s32 $0x1;
	s9 =	simm.s32 $0x3  }
0x4: {  	s11 =	simm.s32 $0x0;
	p0 =	por $0x0, $0x0;
	s5 =	sshll.u32 s1, $0x4  }
.Ltmp0:
0x5: {  	s1 =	stileid.u32;
	s5 =	sand.u32 $0x10, s5;
	(pc) =	sbr.rel .LBB2_1-.Ltmp0, $4  }
0x6: {  	s2 =	sadd.s32 $0x20400, s7;
	s3 =	sadd.s32 $0x20200, s7;
	s6 =	sor.u32 s1, s5  }
0x7: {  	[sflag:s4] =	ssyncpa.u1 $0x0;
	s5 =	simm.s32 $0x2;
	s6 =	sshll.u32 s6, $0x6  }
0x8: {  	s7 =	sadd.s32 $0x120600, s7;
	[sflag:s5] =	ssyncpa.u1 $0x0;
	s8 =	sadd.s32 $0x40, s6  }
0x9: {  	vm0 =	vmmov $0xff;
	vm1 =	vcmask $0x3F20;
	[sflag:s9] =	ssyncpa.u1 $0x0;
	s10 =	smov.u32 s6;
	s9 =	simm.s32 $0x0  }
.LBB2_5:
0xa: {  	p1 =	slt.u32 s9, $0x2;
	s11 =	sadd.s32 $0x10, s10  }
0xb: {  	s13 =	smov.u32 s6;
	s9 =	sadd.s32 $0x1, s9;
	p2 =	slt.s32 s11, s8  }
0xc: {  	s13 =	smov.u32 @p2 s11;
	p2 =	sne.s32 s9, $0x6  }
.Ltmp1:
0xd: {  	_ = 	snop;
	(pc) =	sbr.rel @!p2 .LBB2_6-.Ltmp1, $4  }
0xe: {  	s12 =	simm.s32 @!p1 $0x3  }
0xf: {  	_ =	swait.ge @!p1 [sflag:s12], $0x8000  }
0x10: {  	p0 =	por !p0, !p0;
	[sflag:s12] =	ssyncset.done @!p1 $0x0  }
0x11: {  	s11 =	smov.u32 s10;
	s10 =	smov.u32 s13;
	[sflag:s12] =	ssyncadd.s32 @!p1 $0xFFFF8000  }
.LBB2_1:
0x12: {  	p1 =	sgt.u32 s9, $0x3  }
0x13: {  	s12 =	sxor.u32 @!p1 $0xFFFFFFFF, s9  }
0x14: {  	s13 =	sshrl.u32 @!p1 s10, $0x3;
	s12 =	sshll.u32 @!p1 s12, $0x4  }
0x15: {  	s14 =	sand.u32 @!p1 $0x7, s10;
	s13 =	sadd.s32 @!p1 s3, s13;
	s12 =	sand.u32 @!p1 $0x10, s12  }
0x16: {  	[tilespmem:s12], [sflag:$0x2] =	stream.linear.gather @!p1 [hbm4b:s13+s14], $0x10, $0x38;
	[tilespmem:$0x10020] =	vst v63  }
0x17: {  	p1 =	seq.s32 s9, $0x0  }
0x18: {  	p2 =	seq.s32 @!p1 s9, $0x5  }
0x19: {  	p1 =	por p1, p2  }
.Ltmp2:
0x1a: {  	_ = 	snop;
	(pc) =	sbr.rel @p1 .LBB2_5-.Ltmp2, $1  }
0x1b: {  	_ =	sdelay $0x3  }
0x1c: {  	_ =	swait.ge [sflag:s5], $0x10  }
0x1d: {  	s12 =	sand.u32 $0x1, s9;
	[sflag:s5] =	ssyncset.done $0x0  }
0x1e: {  	s13 =	sshll.u32 s12, $0x4;
	[sflag:s5] =	ssyncadd.s32 $0xFFFFFFF0  }
0x1f: {  	v0 =	vld.msk [tilespmem:s13+$0x0 ss:$0x1], $0xffff;
	_ =	sdelay $0x4  }
0x20: {  	vm2 =	vgt.s32 v0, $0x0  }
0x21: {  	v0 =	vnsel vm2, $0x0, v0  }
0x22: {  	v0 =	vmin.u32 v0, $0xFFF  }
0x23: {  	v1 =	vshll.u32 v0, $0x8;
	v0 =	vshll.u32 v0, $0x4  }
0x24: {  	v1 =	vand.u32 $0xFF800, v1;
	v0 =	vand.u32 $0x70, v0  }
0x25: {  	s13 =	simm.s32 $0x1;
	v0 =	vor.u32 v0, v1  }
0x26: {  	s13 =	simm.s32 @!p0 $0x0  }
0x27: {  	s13 =	sshll.u32 s13, $0xF  }
0x28: {  	s14 =	sor.u32 $0x20, s13  }
0x29: {  	s12 =	sshll.u32 s12, $0xF;
	s16 =	sadd.s32 $0x0, s14  }
0x2a: {  	[tilespmem:s16], [sflag:$0x1] =	stream.indirect_vreg.gather [hbm:s2], $0x80, v0, vm0, $0x38;
	[tilespmem:$0x10020] =	vst v63  }
0x2b: {  	s15 =	simm.s32 $0x1000;
	s13 =	sor.u32 $0x20, s12;
	v1 =	vadd.s32 $0x80, v0;
	s16 =	sadd.s32 $0x4000, s16  }
.LBB2_3:
0x2c: {  	[tilespmem:s16], [sflag:$0x1] =	stream.indirect_vreg.gather [hbm:s2], $0x80, v0, vm1, $0x38;
	[tilespmem:$0x10020] =	vst v63  }
0x2d: {  	v0 =	vmov v1;
	s16 =	smov.u32 s15;
	p1 =	sne.s32 s15, $0xF000  }
.Ltmp3:
0x2e: {  	s15 =	sadd.s32 $0x1000, s15;
	(pc) =	sbr.rel @p1 .LBB2_3-.Ltmp3, $4  }
0x2f: {  	s16 =	sshra.s32 s16, $0x2  }
0x30: {  	s16 =	sadd.s32 s16, s14  }
0x31: {  	[tilespmem:s16], [sflag:$0x1] =	stream.indirect_vreg.gather [hbm:s2], $0x80, v1, vm0, $0x38;
	[tilespmem:$0x10020] =	vst v63  }
0x32: {  	s16 =	sadd.s32 $0x4000, s16;
	v1 =	vadd.s32 $0x80, v1  }
0x33: {  	_ =	sdelay $0x3  }
0x34: {  	[tilespmem:s16], [sflag:$0x1] =	stream.indirect_vreg.gather [hbm:s2], $0x80, v0, vm1, $0x38;
	[tilespmem:$0x10020] =	vst v63  }
0x35: {  	s14 =	sshll.u32 s11, $0x4;
	s31 =	sshll.u32 s11, $0x8  }
0x36: {  	_ =	swait.ge [sflag:s4], $0x8000;
	s14 =	sand.u32 $0x70, s14;
	s11 =	sand.u32 $0xFFFFF800, s31  }
.Ltmp4:
0x37: {  	[sflag:s4] =	ssyncset.done $0x0;
	s14 =	sadd.s32 s7, s14;
	(pc) =	sbr.rel .LBB2_5-.Ltmp4, $4  }
0x38: {  	[sflag:s4] =	ssyncadd.s32 $0xFFFF8000;
	s11 =	sadd.s32 s11, s14  }
0x39: {  	[hbm:s11] =	stream.linear.scatter [tilespmem:s13], [sflag:$0x3], $0x4000, $0x38;
	[tilespmem:$0x10020] =	vst v63  }
0x3a: {  	s12 =	sadd.s32 $0x4020, s12;
	s11 =	sadd.s32 $0x800, s11  }
0x3b: {  	[hbm:s11] =	stream.linear.scatter [tilespmem:s12], [sflag:$0x3], $0x4000, $0x38;
	[tilespmem:$0x10020] =	vst v63  }
.LBB2_6:
0x3c: {  	_ =	sfence.sel $0x180000  }
0x3d: {  	s2 =	simm.s32 $0x2;
	[bflag:$0x0] =	sbarrier.arrive $0xFFFF  }
0x3e: {  	s30 =	simm.s32 $0x3;
	[sflag:s2] =	ssyncpa.u1 $0x1  }
0x3f: {  	s31 =	simm.s32 $0x1;
	[sflag:s30] =	ssyncpa.u1 $0x1  }
0x40: {  	[sflag:s31] =	ssyncpa.u1 $0x1  }
0x41: {  	p0 =	sne.s32 s1, $0x0;
	_ =	strace $0x90000053  }
0x42: {  	s0 =	sadd.s32 @!p0 $0x100000, s0;
	[bflag:$0x2] =	sbarrier.arrive $0xFFFF  }
0x43: {  	[sflag:s0] =	ssyncadd.tile.s32 @!p0 $0x1;
	_ =	shalt  }
.Lfunc_end2:
_tile_overlayer_lowered:
.L_overlay_start_2:
0x44: {  	(tag) =	ssettag $0x2  }
0x45: {  	s0 =	rddreg [dreg:$0x0];
	s2 =	stileid.u32  }
0x46: {  	s1 =	rddreg [dreg:$0x1];
	p0 =	sne.s32 s2, $0x0  }
0x47: {  	s3 =	rddreg [dreg:$0x2];
	[bflag:$0x3] =	sbarrier.arrive $0xFFFF;
	s2 =	simm.s32 @!p0 $0x1C01  }
0x48: {  	[timem:s3], [sflag:s2] =	dma.local @!p0 [hbm:s0], s1  }
0x49: {  	s0 =	simm.s32 @!p0 $0x1  }
0x4a: {  	_ =	swait.ge @!p0 [sflag:s0], s1  }
0x4b: {  	s1 =	ssub.s32 @!p0 $0x0, s1;
	[sflag:s0] =	ssyncset.done @!p0 $0x0  }
0x4c: {  	[sflag:s0] =	ssyncadd.s32 @!p0 s1  }
0x4d: {  	[bflag:$0x3] =	sbarrier.arrive $0xFFFF  }
0x4e: {  	_ =	shalt  }

// kernel: gather_offload_async_start
scs
__scs_entry_jumppad:
0x0: {  	(pc) =	sbr.rel $0x88, $3  }
0x1: {  	(tag) =	ssettag $0x0;
	lr =	simm.s32 $0x1  }
0x2: {  	[smem:$0x3F30] =	sst lr;
	_ =	strace $0xD0000000  }
0x3: {  	_ = 	snop  }
0x4: {  	_ = 	snop  }
0x5: {  	_ = 	snop  }
0x6: {  	_ = 	snop  }
0x7: {  	_ = 	snop  }
__scs_overlays_trampoline_lowered:
0x8: {  	[smem:$0x3F3F] =	sst s0  }
0x9: {  	[smem:$0x3F40] =	sst s1  }
0xa: {  	[smem:$0x3F41] =	sst s2  }
0xb: {  	[smem:$0x3F42] =	sst s3  }
0xc: {  	[smem:$0x3F43] =	sst s4  }
0xd: {  	[smem:$0x3F44] =	sst s5  }
0xe: {  	[smem:$0x3F45] =	sst s6  }
0xf: {  	[smem:$0x3F46] =	sst s7  }
0x10: {  	[smem:$0x3F47] =	sst s8  }
0x11: {  	[smem:$0x3F48] =	sst s9;
	s0 =	simm.s32 @!p0 $0x0  }
0x12: {  	s1 =	sld [smem:$0x3F2E];
	s0 =	simm.s32 @p0 $0x1  }
0x13: {  	[smem:$0x3F49] =	sst s0;
	s0 =	simm.s32 @!p1 $0x0  }
0x14: {  	s2 =	sld [smem:$0x3F2D];
	s0 =	simm.s32 @p1 $0x1  }
0x15: {  	[smem:$0x3F4A] =	sst s0;
	s0 =	simm.s32 @!p2 $0x0  }
0x16: {  	s3 =	sld [smem:$0x3FDB];
	s0 =	simm.s32 @p2 $0x1  }
0x17: {  	s4 =	simm.s32 $0x1BF5;
	[smem:$0x3F4C] =	sst s0  }
0x18: {  	s0 =	sld [smem:$0x3F2F];
	_ =	swait.ge [sflag:s4], $0x0  }
0x19: {  	s7 =	sld [smem:$0x3F30]  }
0x1a: {  	s8 =	sadd.s32 $0xFFFFE003, lr  }
0x1b: {  	s9 =	sadd.s32 $0xFFFFFEF7, lr;
	s5 =	simm.s32 $0xFFFFFFFF;
	p2 =	slt.u32 s8, $0xFFFFF086  }
0x1c: {  	p1 =	slt.u32 s9, $0xF7A;
	s5 =	simm.s32 @!p2 $0x0  }
0x1d: {  	s5 =	simm.s32 @p1 $0x1;
	p0 =	seq.s32 s7, s2  }
0x1e: {  	s7 =	smul.u32 @!p0 $0xF7A, s2;
	p2 =	seq.s32 @!p0 s5, $0x0  }
0x1f: {  	s9 =	smul.u32 $0xF7A, s1;
	s8 =	simm.s32 @!p0 $0x1BF5;
	p2 =	por !p2, p0  }
0x20: {  	[sflag:s8] =	ssyncset.s32 @!p0 $0xFFFFF086;
	s6 =	sadd.s32 @!p0 s3, s7;
	s7 =	simm.s32 @!p0 $0x108  }
0x21: {  	s3 =	sadd.s32 s3, s9;
	s6 =	sadd.s32 @!p0 $0x88, s6;
	s7 =	simm.s32 @p2 $0x1082  }
0x22: {  	[simem:s7], [sflag:s8] =	dma.local @!p0 [hbm:s6], $0xF7A  }
0x23: {  	s9 =	sor.u32 $0xD0000000, s2;
	s6 =	simm.s32 $0x108;
	_ =	swait.ge @!p0 [sflag:s8], $0x0  }
0x24: {  	s3 =	sadd.s32 $0x88, s3;
	s6 =	simm.s32 @!p1 $0x1082;
	[sflag:s4] =	ssyncset.s32 $0xFFFFF086  }
0x25: {  	[simem:s6], [sflag:s4] =	dma.local [hbm:s3], $0xF7A  }
0x26: {  	[smem:$0x3F30] =	sst s1;
	(tag) =	ssettag s2;
	_ =	strace s9  }
0x27: {  	s1 =	sld [smem:$0x3F40]  }
0x28: {  	s2 =	sld [smem:$0x3F41]  }
0x29: {  	s4 =	sld [smem:$0x3F43]  }
0x2a: {  	p0 =	seq.s32 s5, $0x0;
	s5 =	sld [smem:$0x3F44]  }
0x2b: {  	s6 =	sld [smem:$0x3F45]  }
0x2c: {  	s7 =	sld [smem:$0x3F46]  }
0x2d: {  	s3 =	simm.s32 $0x108;
	s8 =	sld [smem:$0x3F47]  }
0x2e: {  	s3 =	simm.s32 @!p0 $0x1082;
	s9 =	sld [smem:$0x3F48]  }
0x2f: {  	lr =	sadd.s32 s0, s3;
	s0 =	sld [smem:$0x3F3F]  }
0x30: {  	s3 =	sld [smem:$0x3F42]  }
0x31: {  	[smem:$0x3F4B] =	sst s10  }
0x32: {  	s10 =	sld [smem:$0x3F49];
	_ =	sdelay $0x3  }
0x33: {  	p0 =	seq.s32 s10, $0x1;
	s10 =	sld [smem:$0x3F4B];
	_ =	sdelay $0x3  }
0x34: {  	[smem:$0x3F4B] =	sst s10  }
0x35: {  	s10 =	sld [smem:$0x3F4A];
	_ =	sdelay $0x3  }
0x36: {  	p1 =	seq.s32 s10, $0x1;
	s10 =	sld [smem:$0x3F4B];
	_ =	sdelay $0x3  }
0x37: {  	[smem:$0x3F4B] =	sst s10  }
0x38: {  	s10 =	sld [smem:$0x3F4C]  }
0x39: {  	_ = 	snop;
	(pc) =	sbr.ind lr, $3  }
0x3a: {  	_ = 	snop  }
0x3b: {  	_ = 	snop  }
0x3c: {  	p2 =	seq.s32 s10, $0x1;
	s10 =	sld [smem:$0x3F4B]  }
0x3d: {  	_ =	shalt  }
0x3e: {  	_ =	shalt  }
0x3f: {  	_ =	shalt  }
0x40: {  	_ =	shalt  }
0x41: {  	_ =	shalt  }
0x42: {  	_ =	shalt  }
0x43: {  	_ =	shalt  }
0x44: {  	_ =	shalt  }
0x45: {  	_ =	shalt  }
0x46: {  	_ =	shalt  }
0x47: {  	_ =	shalt  }
0x48: {  	_ =	shalt  }
0x49: {  	_ =	shalt  }
0x4a: {  	_ =	shalt  }
0x4b: {  	_ =	shalt  }
0x4c: {  	_ =	shalt  }
0x4d: {  	_ =	shalt  }
0x4e: {  	_ =	shalt  }
0x4f: {  	_ =	shalt  }
0x50: {  	_ =	shalt  }
0x51: {  	_ =	shalt  }
0x52: {  	_ =	shalt  }
0x53: {  	_ =	shalt  }
0x54: {  	_ =	shalt  }
0x55: {  	_ =	shalt  }
0x56: {  	_ =	shalt  }
0x57: {  	_ =	shalt  }
0x58: {  	_ =	shalt  }
0x59: {  	_ =	shalt  }
0x5a: {  	_ =	shalt  }
0x5b: {  	_ =	shalt  }
0x5c: {  	_ =	shalt  }
0x5d: {  	_ =	shalt  }
0x5e: {  	_ =	shalt  }
0x5f: {  	_ =	shalt  }
0x60: {  	_ =	shalt  }
0x61: {  	_ =	shalt  }
0x62: {  	_ =	shalt  }
0x63: {  	_ =	shalt  }
0x64: {  	_ =	shalt  }
0x65: {  	_ =	shalt  }
0x66: {  	_ =	shalt  }
0x67: {  	_ =	shalt  }
0x68: {  	_ =	shalt  }
0x69: {  	_ =	shalt  }
0x6a: {  	_ =	shalt  }
0x6b: {  	_ =	shalt  }
0x6c: {  	_ =	shalt  }
0x6d: {  	_ =	shalt  }
0x6e: {  	_ =	shalt  }
0x6f: {  	_ =	shalt  }
0x70: {  	_ =	shalt  }
0x71: {  	_ =	shalt  }
0x72: {  	_ =	shalt  }
0x73: {  	_ =	shalt  }
0x74: {  	_ =	shalt  }
0x75: {  	_ =	shalt  }
0x76: {  	_ =	shalt  }
0x77: {  	_ =	shalt  }
0x78: {  	_ =	shalt  }
0x79: {  	_ =	shalt  }
0x7a: {  	_ =	shalt  }
0x7b: {  	_ =	shalt  }
0x7c: {  	_ =	shalt  }
0x7d: {  	_ =	shalt  }
0x7e: {  	_ =	shalt  }
0x7f: {  	_ =	shalt  }
0x80: {  	_ =	shalt  }
0x81: {  	_ =	shalt  }
0x82: {  	_ =	shalt  }
0x83: {  	_ =	shalt  }
0x84: {  	_ =	shalt  }
0x85: {  	_ =	shalt  }
0x86: {  	_ =	shalt  }
0x87: {  	_ =	shalt  }
.Lfunc_end0:
.L_simem_size_0:
called_computation.1_lowered:
.L_overlay_start_0:
0x88: {  	s2 =	sld [smem:$0x3FD9]  }
0x89: {  	s3 =	sld [smem:$0x3FFE];
	_ =	sdelay $0x1  }
0x8a: {  	s1 =	srdreg.scid  }
0x8b: {  	s0 =	sand.u32 $0x1, s1  }
0x8c: {  	s15 =	sshll.u32 s0, $0xA;
	s2 =	sadd.s32 s3, s2  }
0x8d: {  	s2 =	sadd.s32 s2, s15  }
0x8e: {  	[smem:$0x3F57] =	sst s2  }
0x8f: {  	_ = 	snop  }
0x90: {  	s2 =	sld [smem:$0x3FD0];
	_ =	sdelay $0x2  }
0x91: {  	s16 =	simm.s32 $0xC;
	s4 =	simm.s32 $0x10  }
0x92: {  	[smem:s4], [sflag:s16] =	dma.local [hbm:s2], $0x1  }
0x93: {  	_ =	swait.eq [sflag:s16], $0x1  }
0x94: {  	[sflag:s16] =	ssyncset.done $0x0  }
0x95: {  	[sflag:s16] =	ssyncadd.s32 $0xFFFFFFFF  }
0x96: {  	s17 =	sld [smem:$0x10];
	(tm) =	ssettm $0x1  }
0x97: {  	s18 =	sld [smem:$0x3FFB];
	_ =	sdelay $0x3  }
0x98: {  	_ =	strace s18  }
0x99: {  	s2 =	sld [smem:$0x3FFC];
	_ =	sdelay $0x3  }
0x9a: {  	_ =	strace s2  }
0x9b: {  	s2 =	sld [smem:$0x3FFD];
	_ =	sdelay $0x3  }
0x9c: {  	_ =	strace s2  }
0x9d: {  	_ =	strace $0x8FFFFFFF  }
0x9e: {  	s19 =	sld [smem:$0x3FDB];
	_ =	sdelay $0x1  }
0x9f: {  	s20 =	simm.s32 $_scs_section_size  }
0xa0: {  	s5 =	simm.s32 $_size__tile_overlayer_lowered;
	s6 =	simm.s32 $_tile_overlayer_lowered  }
0xa1: {  	s7 =	simm.s32 $0x1BFF;
	s21 =	sshll.u32 s6, $0x1;
	s4 =	sadd.s32 s20, s19  }
0xa2: {  	s22 =	simm.s32 $0x0;
	s5 =	sshll.u32 s5, $0x1;
	s6 =	sadd.s32 s21, s4  }
0xa3: {  	[timem:s22], [sflag:s7] =	dma.local [hbm:s6], s5  }
0xa4: {  	_ =	swait.ge [sflag:s7], s5  }
0xa5: {  	s5 =	ssub.s32 $0x0, s5;
	[sflag:s7] =	ssyncset.done $0x0  }
0xa6: {  	[sflag:s7] =	ssyncadd.s32 s5;
	_ =	sdelay $0x1  }
0xa7: {  	s23 =	simm.s32 $0x1B8B  }
0xa8: {  	_ =	swait.ge [sflag:s23], $0x1  }
0xa9: {  	[sflag:s23] =	ssyncset.done $0x0  }
0xaa: {  	[sflag:s23] =	ssyncadd.s32 $0xFFFFFFFF  }
0xab: {  	s5 =	sld [smem:$0x0]  }
0xac: {  	s6 =	sand.u32 $0xFFFFFFFE, s1  }
0xad: {  	p0 =	sne.s32 s1, s6  }
0xae: {  	s6 =	sshll.u32 @p0 s6, $0xE  }
0xaf: {  	s6 =	sadd.s32 @p0 $0x11B8D, s6;
	s7 =	sshll.u32 @p0 s5, $0x11  }
0xb0: {  	s6 =	sor.u32 @p0 s7, s6  }
0xb1: {  	[sflag:s6] =	ssyncadd.remote.s32 @p0 $0x1;
	_ =	sdelay $0x1  }
0xb2: {  	s6 =	simm.s32 @p0 $0x1B8D  }
0xb3: {  	_ =	swait.eq @p0 [sflag:s6], $0x1  }
0xb4: {  	[sflag:s6] =	ssyncadd.s32 @p0 $0xFFFFFFFF  }
0xb5: {  	s7 =	sshll.u32 @!p0 s1, $0xE  }
0xb6: {  	s7 =	sor.u32 @!p0 $0x4000, s7;
	s6 =	simm.s32 @!p0 $0x1B8D  }
0xb7: {  	s5 =	sshll.u32 @!p0 s5, $0x11;
	s7 =	sadd.s32 @!p0 $0x11B8D, s7;
	_ =	swait.eq @!p0 [sflag:s6], $0x1  }
0xb8: {  	s5 =	sor.u32 @!p0 s5, s7;
	[sflag:s6] =	ssyncadd.s32 @!p0 $0xFFFFFFFF  }
0xb9: {  	s25 =	simm.s32 $0x1B8E;
	s24 =	sld [smem:$0x3FFE];
	[sflag:s5] =	ssyncadd.remote.s32 @!p0 $0x1  }
0xba: {  	s26 =	simm.s32 $execute0_lowered;
	[smem:$0x3FD2] =	sst s25  }
0xbb: {  	s6 =	sshll.u32 s26, $0x1;
	_ =	strace $0x8000004F;
	[dreg:$0x1] =	wrdreg $0xFFFFFFFF  }
0xbc: {  	s28 =	simm.s32 $_size_execute0_lowered;
	s4 =	sadd.s32 s4, s6;
	[dreg:$0x0] =	wrdreg $0x0  }
0xbd: {  	s6 =	sshll.u32 s28, $0x1;
	[dreg:$0x2] =	wrdreg s4  }
0xbe: {  	[dreg:$0x3] =	wrdreg s6  }
0xbf: {  	[dreg:$0x4] =	wrdreg $0xC0  }
0xc0: {  	_ =	task [dreg:s22], $0x5FFFF  }
0xc1: {  	[dreg:$0x1] =	wrdreg $0xFFFFFFFF  }
0xc2: {  	[dreg:$0x0] =	wrdreg $0x60  }
0xc3: {  	[dreg:$0x2] =	wrdreg s24  }
0xc4: {  	[dreg:$0x3] =	wrdreg s17  }
0xc5: {  	[dreg:$0x4] =	wrdreg $0x9  }
0xc6: {  	_ =	task.clear_ibuf [dreg:s22], $0x5FFFF;
	_ =	strace $0x9000004F  }
0xc7: {  	s29 =	simm.s32 $0x9;
	_ =	strace $0x80000051  }
0xc8: {  	_ =	swait.ge [sflag:s29], $0x1  }
0xc9: {  	[sflag:s29] =	ssyncadd.s32 $0xFFFFFFFF  }
0xca: {  	_ =	strace $0x90000051  }
0xcb: {  	_ =	sfence  }
0xcc: {  	s30 =	sld [smem:$0x0];
	_ =	sdelay $0x2  }
0xcd: {  	s31 =	sshll.u32 s1, $0xD;
	s1 =	sshrl.u32 s1, $0x2  }
0xce: {  	s4 =	sand.u32 $0x4000, s31;
	s1 =	sadd.s32 s1, s30  }
0xcf: {  	s0 =	sor.u32 s4, s0;
	s1 =	sshll.u32 s1, $0x11  }
0xd0: {  	s0 =	sor.u32 s1, s0  }
0xd1: {  	s0 =	sadd.s32 $0x8F2B, s0  }
0xd2: {  	[sflag:s0] =	ssyncadd.remote.s32 $0x1  }
0xd3: {  	_ =	sfence.sel $0xFFFF  }
0xd4: {  	[dreg:$0x0] =	wrdreg $0xFFFFFFFF;
	(pc) =	sbr.abs _section_cstart, $3  }
0xd5: {  	[dreg:$0x1] =	wrdreg $0xFFFFFFFF  }
0xd6: {  	_ =	task.clear_ibuf [dreg:s22], $0x2FFFF;
	_ =	strace $0x9FFFFFFF  }
0xd7: {  	(tm) =	ssettm $0x7FFFFFFF  }
tec
execute0_lowered:
.L_overlay_start_1:
0x0: {  	(tag) =	ssettag $0x1  }
0x1: {  	s2 =	rddreg [dreg:$0x0]  }
0x2: {  	s3 =	rddreg [dreg:$0x1]  }
0x3: {  	s0 =	rddreg [dreg:$0x2];
	s1 =	srdreg.scid;
	_ =	strace $0x80000050  }
0x4: {  	s4 =	simm.s32 $0x1;
	s9 =	simm.s32 $0x3;
	s5 =	sshll.u32 s1, $0x4  }
.Ltmp0:
0x5: {  	s1 =	stileid.u32;
	s5 =	sand.u32 $0x10, s5;
	(pc) =	sbr.rel .LBB2_1-.Ltmp0, $4  }
0x6: {  	s12 =	simm.s32 $0x0;
	s10 =	simm.s32 $0x0;
	s6 =	sor.u32 s1, s5  }
0x7: {  	[sflag:s4] =	ssyncpa.u1 $0x0;
	s5 =	simm.s32 $0x2;
	s6 =	sshll.u32 s6, $0x6  }
0x8: {  	s7 =	sadd.s32 $0x20200, s2;
	[sflag:s5] =	ssyncpa.u1 $0x0;
	s8 =	sadd.s32 $0x40, s6  }
0x9: {  	vm0 =	vmmov $0xff;
	vm1 =	vcmask $0x3F20;
	[sflag:s9] =	ssyncpa.u1 $0x0;
	s9 =	simm.s32 $0x40;
	s11 =	smov.u32 s6  }
.LBB2_10:
0xa: {  	[hbm:s16] =	stream.linear.scatter [tilespmem:s13], [sflag:$0x3], $0x800, $0x38;
	[tilespmem:$0x8080] =	vst v63  }
.LBB2_11:
0xb: {  	p0 =	seq.s32 s10, $0x2  }
.Ltmp1:
0xc: {  	_ = 	snop;
	(pc) =	sbr.rel @p0 .LBB2_13-.Ltmp1, $1  }
0xd: {  	_ =	sdelay $0x3  }
.LBB2_12:
0xe: {  	s12 =	sadd.s32 $0x40, s11  }
0xf: {  	s13 =	smov.u32 s6;
	p0 =	slt.s32 s12, s8  }
0x10: {  	s13 =	smov.u32 @p0 s12  }
0x11: {  	s10 =	sadd.s32 $0x1, s10;
	s12 =	smov.u32 s11;
	s11 =	smov.u32 s13  }
.LBB2_1:
0x12: {  	p0 =	sne.s32 s10, $0x0  }
.Ltmp2:
0x13: {  	_ = 	snop;
	(pc) =	sbr.rel @!p0 .LBB2_2-.Ltmp2, $1  }
0x14: {  	_ =	sdelay $0x3  }
0x15: {  	s13 =	sand.u32 $0x1, s10  }
0x16: {  	p0 =	seq.s32 s13, $0x0  }
.Ltmp3:
0x17: {  	_ = 	snop;
	(pc) =	sbr.rel @p0 .LBB2_11-.Ltmp3, $1  }
0x18: {  	_ =	sdelay $0x3  }
0x19: {  	_ =	swait.ge [sflag:s5], $0x40  }
0x1a: {  	[sflag:s5] =	ssyncset.done $0x0  }
0x1b: {  	s13 =	simm.s32 $0x0;
	[sflag:s5] =	ssyncadd.s32 $0xFFFFFFC0  }
.LBB2_5:
0x1c: {  	s14 =	sshll.u32 s13, $0x4  }
0x1d: {  	s14 =	sand.u32 $0x3FFFFFF0, s14  }
0x1e: {  	v0 =	vld.msk [tilespmem:s14+$0x40 ss:$0x1], $0xffff;
	_ =	sdelay $0x4  }
0x1f: {  	vm2 =	vgt.s32 v0, $0x0  }
0x20: {  	v0 =	vnsel vm2, $0x0, v0  }
0x21: {  	v0 =	vmin.u32 v0, $0xFFF  }
0x22: {  	s31 =	sshll.u32 s13, $0xC;
	v1 =	vshll.u32 v0, $0x5;
	v0 =	vshll.u32 v0, $0x4  }
0x23: {  	s14 =	sand.u32 $0x3FFFF000, s31;
	v1 =	vand.u32 $0x1FF00, v1;
	v0 =	vand.u32 $0x70, v0  }
0x24: {  	p0 =	por $0x1, $0x1;
	s15 =	simm.s32 $0x0;
	s14 =	sadd.s32 $0x4080, s14;
	v0 =	vor.u32 v0, v1  }
.LBB2_6:
0x25: {  	_ =	sdelay $0x1  }
0x26: {  	s15 =	sshra.s32 s15, $0x2;
	p1 =	por p0, p0  }
.Ltmp4:
0x27: {  	s15 =	sadd.s32 s15, s14;
	(pc) =	sbr.rel @p1 .LBB2_6-.Ltmp4, $4  }
0x28: {  	[tilespmem:s15], [sflag:$0x1] =	stream.indirect_vreg.gather [hbm:s2], $0x80, v0, vm0, $0x38;
	[tilespmem:$0x8080] =	vst v63  }
0x29: {  	s15 =	sadd.s32 $0x800, s15  }
0x2a: {  	[tilespmem:s15], [sflag:$0x1] =	stream.indirect_vreg.gather [hbm:s2], $0x80, v0, vm1, $0x38;
	[tilespmem:$0x8080] =	vst v63  }
0x2b: {  	p0 =	por $0x0, $0x0;
	v0 =	vadd.s32 $0x80, v0;
	s15 =	simm.s32 $0x1000  }
0x2c: {  	s13 =	sadd.s32 $0x1, s13  }
0x2d: {  	p0 =	sne.s32 s13, $0x4  }
.Ltmp5:
0x2e: {  	_ = 	snop;
	(pc) =	sbr.rel @p0 .LBB2_5-.Ltmp5, $1  }
0x2f: {  	_ =	sdelay $0x3  }
0x30: {  	s13 =	sshll.u32 s12, $0x5  }
0x31: {  	_ =	swait.ge [sflag:s4], $0x4000;
	s31 =	sshll.u32 s12, $0x4;
	s13 =	sand.u32 $0xFFFFFF00, s13  }
0x32: {  	s14 =	simm.s32 $0x100;
	s12 =	sand.u32 $0x70, s31;
	s13 =	sadd.s32 s13, s3  }
0x33: {  	s15 =	simm.s32 $0x4880;
	[sflag:s4] =	ssyncset.done $0x0;
	s12 =	sadd.s32 s12, s13  }
0x34: {  	[sflag:s4] =	ssyncadd.s32 $0xFFFFC000;
	s13 =	simm.s32 $0x4080;
	s16 =	sadd.s32 $0x0, s12  }
.LBB2_9:
0x35: {  	[hbm:s16] =	stream.linear.scatter [tilespmem:s13], [sflag:$0x3], $0x800, $0x38;
	[tilespmem:$0x8080] =	vst v63  }
0x36: {  	s16 =	smov.u32 s14;
	s13 =	smov.u32 s15;
	p0 =	sne.s32 s14, $0x700  }
.Ltmp6:
0x37: {  	s14 =	sadd.s32 $0x100, s14;
	(pc) =	sbr.rel @p0 .LBB2_9-.Ltmp6, $2  }
0x38: {  	_ =	sdelay $0x2  }
0x39: {  	s15 =	sadd.s32 $0x800, s15;
	s16 =	sadd.s32 s16, s12  }
.Ltmp7:
0x3a: {  	_ = 	snop;
	(pc) =	sbr.rel .LBB2_10-.Ltmp7, $1  }
0x3b: {  	_ =	sdelay $0x3  }
.LBB2_2:
.Ltmp8:
0x3c: {  	(pc) =	sbr.rel .LBB2_12-.Ltmp8, $4  }
0x3d: {  	_ = 	snop  }
0x3e: {  	s12 =	sshrl.u32 s11, $0x3  }
0x3f: {  	s13 =	sand.u32 $0x7, s11;
	s12 =	sadd.s32 s7, s12  }
0x40: {  	[tilespmem:s9], [sflag:$0x2] =	stream.linear.gather [hbm4b:s12+s13], $0x40, $0x38;
	[tilespmem:$0x8080] =	vst v63  }
.LBB2_13:
0x41: {  	s2 =	simm.s32 $0x3  }
0x42: {  	_ =	swait.ge [sflag:s2], $0x4000  }
0x43: {  	[sflag:s2] =	ssyncset.done $0x0  }
0x44: {  	[sflag:s2] =	ssyncadd.s32 $0xFFFFC000  }
0x45: {  	_ =	sfence.sel $0x180000  }
0x46: {  	s3 =	simm.s32 $0x2;
	[bflag:$0x0] =	sbarrier.arrive $0xFFFF  }
0x47: {  	[sflag:s3] =	ssyncpa.u1 $0x1  }
0x48: {  	s31 =	simm.s32 $0x1;
	[sflag:s2] =	ssyncpa.u1 $0x1  }
0x49: {  	[sflag:s31] =	ssyncpa.u1 $0x1  }
0x4a: {  	p0 =	sne.s32 s1, $0x0;
	_ =	strace $0x90000050  }
0x4b: {  	s0 =	sadd.s32 @!p0 $0x100000, s0;
	[bflag:$0x2] =	sbarrier.arrive $0xFFFF  }
0x4c: {  	[sflag:s0] =	ssyncadd.tile.s32 @!p0 $0x1;
	_ =	shalt  }
.Lfunc_end2:
_tile_overlayer_lowered:
.L_overlay_start_2:
0x4d: {  	(tag) =	ssettag $0x2  }
0x4e: {  	s0 =	rddreg [dreg:$0x0];
	s2 =	stileid.u32  }
0x4f: {  	s1 =	rddreg [dreg:$0x1];
	p0 =	sne.s32 s2, $0x0  }
0x50: {  	s3 =	rddreg [dreg:$0x2];
	[bflag:$0x3] =	sbarrier.arrive $0xFFFF;
	s2 =	simm.s32 @!p0 $0x1C01  }
0x51: {  	[timem:s3], [sflag:s2] =	dma.local @!p0 [hbm:s0], s1  }
0x52: {  	s0 =	simm.s32 @!p0 $0x1  }
0x53: {  	_ =	swait.ge @!p0 [sflag:s0], s1  }
0x54: {  	s1 =	ssub.s32 @!p0 $0x0, s1;
	[sflag:s0] =	ssyncset.done @!p0 $0x0  }
0x55: {  	[sflag:s0] =	ssyncadd.s32 @!p0 s1  }
0x56: {  	[bflag:$0x3] =	sbarrier.arrive $0xFFFF  }
0x57: {  	_ =	shalt  }

// kernel: sparse-core-data-format-call.cloned.1.call-start
scs
called_computation_lowered:
.L_overlay_start_0:
0x0: {  	s1 =	sld [smem:$0x3FD9]  }
0x1: {  	s2 =	sld [smem:$0x3FFE];
	_ =	sdelay $0x1  }
0x2: {  	s3 =	srdreg.scid  }
0x3: {  	s0 =	sand.u32 $0x1, s3  }
0x4: {  	s17 =	sshll.u32 s0, $0xA;
	s1 =	sadd.s32 s2, s1  }
0x5: {  	s1 =	sadd.s32 s1, s17  }
0x6: {  	[smem:$0x3F57] =	sst s1  }
0x7: {  	_ = 	snop  }
0x8: {  	(tm) =	ssettm $0x1  }
0x9: {  	s18 =	sld [smem:$0x3FFB];
	_ =	sdelay $0x3  }
0xa: {  	_ =	strace s18  }
0xb: {  	s1 =	sld [smem:$0x3FFC];
	_ =	sdelay $0x3  }
0xc: {  	_ =	strace s1  }
0xd: {  	s1 =	sld [smem:$0x3FFD];
	_ =	sdelay $0x3  }
0xe: {  	_ =	strace s1  }
0xf: {  	_ =	strace $0x8FFFFFFF  }
0x10: {  	s19 =	sld [smem:$0x3FDB];
	_ =	sdelay $0x1  }
0x11: {  	s20 =	simm.s32 $_scs_section_size  }
0x12: {  	s4 =	simm.s32 $_size__tile_overlayer_lowered;
	s5 =	simm.s32 $_tile_overlayer_lowered  }
0x13: {  	s23 =	simm.s32 $0x1BFF;
	s22 =	sshll.u32 s5, $0x1;
	s1 =	sadd.s32 s20, s19  }
0x14: {  	s6 =	simm.s32 $0x0;
	s21 =	sshll.u32 s4, $0x1;
	s4 =	sadd.s32 s22, s1  }
0x15: {  	[timem:s6], [sflag:s23] =	dma.local [hbm:s4], s21  }
0x16: {  	_ =	swait.ge [sflag:s23], s21  }
0x17: {  	s2 =	ssub.s32 $0x0, s21;
	[sflag:s23] =	ssyncset.done $0x0  }
0x18: {  	[sflag:s23] =	ssyncadd.s32 s2;
	_ =	sdelay $0x1  }
0x19: {  	s24 =	simm.s32 $0x1B8B  }
0x1a: {  	_ =	swait.ge [sflag:s24], $0x1  }
0x1b: {  	[sflag:s24] =	ssyncset.done $0x0  }
0x1c: {  	s26 =	simm.s32 $0x1B8E;
	s25 =	sld [smem:$0x3FFE];
	[sflag:s24] =	ssyncadd.s32 $0xFFFFFFFF  }
0x1d: {  	s27 =	simm.s32 $execute0_lowered;
	[smem:$0x3FD2] =	sst s26  }
0x1e: {  	s4 =	sshll.u32 s27, $0x1;
	_ =	strace $0x80000049;
	[dreg:$0x1] =	wrdreg $0xFFFFFFFF  }
0x1f: {  	s28 =	simm.s32 $_size_execute0_lowered;
	s1 =	sadd.s32 s1, s4;
	[dreg:$0x0] =	wrdreg $0x0  }
0x20: {  	s4 =	sshll.u32 s28, $0x1;
	[dreg:$0x2] =	wrdreg s1  }
0x21: {  	[dreg:$0x3] =	wrdreg s4  }
0x22: {  	[dreg:$0x4] =	wrdreg $0xC0  }
0x23: {  	_ =	task [dreg:s6], $0x5FFFF  }
0x24: {  	[dreg:$0x1] =	wrdreg $0xFFFFFFFF  }
0x25: {  	[dreg:$0x0] =	wrdreg $0x60  }
0x26: {  	[dreg:$0x2] =	wrdreg s25  }
0x27: {  	[dreg:$0x3] =	wrdreg $0xB  }
0x28: {  	_ =	task.clear_ibuf [dreg:s6], $0x4FFFF;
	_ =	strace $0x90000049  }
0x29: {  	s29 =	simm.s32 $0xB;
	_ =	strace $0x8000004B  }
0x2a: {  	_ =	swait.ge [sflag:s29], $0x1  }
0x2b: {  	[sflag:s29] =	ssyncadd.s32 $0xFFFFFFFF  }
0x2c: {  	_ =	strace $0x9000004B  }
0x2d: {  	_ =	sfence  }
0x2e: {  	s30 =	sld [smem:$0x0];
	_ =	sdelay $0x2  }
0x2f: {  	s31 =	sshll.u32 s3, $0xD;
	s3 =	sshrl.u32 s3, $0x2  }
0x30: {  	s2 =	sand.u32 $0x4000, s31;
	s1 =	sadd.s32 s3, s30  }
0x31: {  	s0 =	sor.u32 s2, s0;
	s1 =	sshll.u32 s1, $0x11  }
0x32: {  	s0 =	sor.u32 s1, s0  }
0x33: {  	s0 =	sadd.s32 $0x8F2B, s0  }
0x34: {  	[sflag:s0] =	ssyncadd.remote.s32 $0x1  }
0x35: {  	_ =	sfence.sel $0xFFFF  }
0x36: {  	[dreg:$0x0] =	wrdreg $0xFFFFFFFF;
	(pc) =	sbr.abs _section_cstart, $3  }
0x37: {  	[dreg:$0x1] =	wrdreg $0xFFFFFFFF  }
0x38: {  	_ =	task.clear_ibuf [dreg:s6], $0x2FFFF;
	_ =	strace $0x9FFFFFFF  }
0x39: {  	(tm) =	ssettm $0x7FFFFFFF  }
tec
execute0_lowered:
.L_overlay_start_1:
0x0: {  	(tag) =	ssettag $0x1  }
0x1: {  	s7 =	rddreg [dreg:$0x0]  }
0x2: {  	s1 =	stileid.u32;
	s3 =	srdreg.scid  }
0x3: {  	s0 =	rddreg [dreg:$0x1];
	_ =	strace $0x8000004A;
	s8 =	simm.s32 $0x1  }
0x4: {  	s31 =	simm.s32 $0x2;
	s14 =	simm.s32 $0x0;
	s13 =	simm.s32 $0x0  }
0x5: {  	s12 =	simm.s32 $0x0;
	s2 =	sshll.u32 s1, $0x7;
	s3 =	sshll.u32 s3, $0x7  }
0x6: {  	s3 =	sand.u32 $0x80, s3;
	s4 =	ssub.s32 $0x800, s2;
	s11 =	smov.u32 s2  }
0x7: {  	s5 =	sshrl.u32 s4, $0xB;
	s4 =	sand.u32 $0x780, s4;
	s6 =	ssub.s32 $0x1000, s3  }
0x8: {  	p0 =	sne.s32 s4, $0x0;
	s30 =	sshrl.u32 s6, $0x7;
	s6 =	sshrl.u32 s6, $0x8  }
.Ltmp0:
0x9: {  	s8 =	simm.s32 @!p0 $0x0;
	s9 =	sand.u32 $0x1, s30;
	(pc) =	sbr.rel .LBB1_1-.Ltmp0, $4  }
0xa: {  	s4 =	simm.s32 $0x1;
	s5 =	sadd.s32 s8, s5;
	s6 =	sadd.s32 s6, s9  }
0xb: {  	s10 =	smov.u32 s3;
	[sflag:s4] =	ssyncpa.u1 $0x0;
	s5 =	smul.u32 s5, s6  }
0xc: {  	p0 =	por $0x0, $0x0;
	[sflag:s31] =	ssyncpa.u1 $0x0;
	s9 =	simm.s32 $0x4000  }
0xd: {  	s6 =	sadd.s32 $0x280000, s7;
	s7 =	sadd.s32 $0x20400, s7;
	s8 =	sadd.s32 $0x1, s5  }
.LBB1_4:
0xe: {  	v5 =	vld [tilespmem:s17+$0xFFFFFFD0]  }
0xf: {  	[tilespmem:s18+$0x2040 ss:$0x81] =	vst.msk $0xffff, v1;
	v58 =	vld [tilespmem:s17+$0xFFFFFFE0]  }
0x10: {  	[tilespmem:s18+$0x2850 ss:$0x81] =	vst.msk $0xffff, v2;
	v59 =	vld [tilespmem:s17+$0xFFFFFFF0]  }
0x11: {  	s19 =	sshra.s32 s19, $0x2;
	[tilespmem:s18+$0x3060 ss:$0x81] =	vst.msk $0xffff, v3;
	v60 =	vld [tilespmem:s17+$0x0]  }
0x12: {  	[tilespmem:s18+$0x0 ss:$0x81] =	vst.msk $0xffff, v0;
	v61 =	vld [tilespmem:s17+$0x10];
	s16 =	sadd.s32 s19, s16  }
0x13: {  	s26 =	sshll.u32 s14, $0xB;
	v62 =	vld [tilespmem:s17+$0x20];
	[tilespmem:s16+$0x3870 ss:$0x81] =	vst.msk $0xffff, v4  }
0x14: {  	s27 =	sand.u32 $0x78, s13;
	s20 =	sshll.u32 s13, $0x3;
	v63 =	vld [tilespmem:s17+$0xFFFFFFC0];
	s29 =	sshll.u32 s14, $0x7;
	[tilespmem:s16+$0x810 ss:$0x81] =	vst.msk $0xffff, v5  }
0x15: {  	s18 =	sand.u32 $0x7FC000, s26;
	s28 =	sand.u32 $0x7FFC00, s20;
	s20 =	sand.u32 $0x400, s20;
	[tilespmem:s16+$0x1020 ss:$0x81] =	vst.msk $0xffff, v58  }
0x16: {  	s14 =	sand.u32 $0x380, s29;
	s17 =	sadd.s32 s28, s18;
	s30 =	sor.u32 s27, s20;
	[tilespmem:s16+$0x1830 ss:$0x81] =	vst.msk $0xffff, v59  }
0x17: {  	s17 =	sand.u32 $0x7FF800, s17;
	s14 =	sor.u32 s14, s30;
	[tilespmem:s16+$0x2040 ss:$0x81] =	vst.msk $0xffff, v60  }
0x18: {  	s31 =	sand.u32 $0x7, s13;
	s14 =	sor.u32 s17, s14;
	[tilespmem:s16+$0x2850 ss:$0x81] =	vst.msk $0xffff, v61  }
0x19: {  	s13 =	sshll.u32 s31, $0x12;
	[tilespmem:s16+$0x3060 ss:$0x81] =	vst.msk $0xffff, v62;
	s14 =	sshrl.u32 s14, $0x3  }
0x1a: {  	s13 =	sor.u32 $0x400, s13;
	[tilespmem:s16+$0x0 ss:$0x81] =	vst.msk $0xffff, v63;
	s14 =	sadd.s32 s7, s14  }
0x1b: {  	[hbm4b:s14+s13] =	stream.strided.scatter [tilespmem:s15], [sflag:$0x2], $0x4000, s9, s13, $0x20;
	[tilespmem:$0x10100] =	vst v63  }
.LBB1_5:
0x1c: {  	s15 =	sadd.s32 $0x100, s10  }
0x1d: {  	s13 =	sadd.s32 $0x800, s11;
	s17 =	smov.u32 s11;
	p2 =	sgt.s32 s15, $0xFFF  }
0x1e: {  	s17 =	smov.u32 @p2 s13  }
0x1f: {  	s15 =	smov.u32 @p2 s3;
	p2 =	sgt.s32 s17, $0x7FF  }
0x20: {  	s17 =	smov.u32 @p2 s2;
	p2 =	sne.s32 s12, s8  }
.Ltmp1:
0x21: {  	p1 =	slt.u32 s12, $0x2;
	(pc) =	sbr.rel @!p2 .LBB1_6-.Ltmp1, $4  }
0x22: {  	s16 =	simm.s32 @!p1 $0x2  }
0x23: {  	s14 =	smov.u32 s10;
	p0 =	por !p0, !p0;
	_ =	swait.ge @!p1 [sflag:s16], $0x4000  }
0x24: {  	s13 =	smov.u32 s11;
	[sflag:s16] =	ssyncset.done @!p1 $0x0;
	s10 =	smov.u32 s15  }
0x25: {  	s12 =	sadd.s32 $0x1, s12;
	[sflag:s16] =	ssyncadd.s32 @!p1 $0xFFFFC000;
	s11 =	smov.u32 s17  }
.LBB1_1:
0x26: {  	p1 =	sge.u32 s12, s5;
	s31 =	sadd.s32 $0xFFFFFFFF, s12  }
0x27: {  	s15 =	sand.u32 @!p1 $0x78, s10;
	s16 =	sshll.u32 @!p1 s11, $0xC;
	s17 =	sshll.u32 @!p1 s11, $0x7  }
0x28: {  	s18 =	sshll.u32 @!p1 s10, $0x3;
	s16 =	sand.u32 @!p1 $0x7F8000, s16;
	s17 =	sand.u32 @!p1 $0x380, s17  }
0x29: {  	s16 =	sadd.s32 @!p1 s16, s18;
	s18 =	sand.u32 @!p1 $0xC00, s18;
	s15 =	sor.u32 @!p1 s17, s15  }
0x2a: {  	s17 =	sxor.u32 @!p1 $0xFFFFFFFF, s12;
	s16 =	sand.u32 @!p1 $0x7FF000, s16;
	s15 =	sor.u32 @!p1 s18, s15  }
0x2b: {  	s17 =	sshll.u32 @!p1 s17, $0xE;
	s15 =	sor.u32 @!p1 s16, s15;
	s16 =	sand.u32 @!p1 $0x7, s10  }
0x2c: {  	s18 =	simm.s32 @!p1 $0x8000;
	s15 =	sshrl.u32 @!p1 s15, $0x3;
	s16 =	sshll.u32 @!p1 s16, $0x12  }
0x2d: {  	s17 =	sand.u32 @!p1 $0x4000, s17;
	s15 =	sadd.s32 @!p1 s6, s15;
	s16 =	sor.u32 @!p1 $0x400, s16  }
0x2e: {  	[tilespmem:s17], [sflag:$0x1] =	stream.strided.gather @!p1 [hbm4b:s15+s16], $0x4000, s18, s16, $0x38;
	[tilespmem:$0x10100] =	vst v63  }
0x2f: {  	p1 =	sge.u32 s31, s5  }
.Ltmp2:
0x30: {  	_ = 	snop;
	(pc) =	sbr.rel @p1 .LBB1_5-.Ltmp2, $1  }
0x31: {  	_ =	sdelay $0x3  }
0x32: {  	s15 =	simm.s32 $0x1  }
0x33: {  	_ =	swait.ge [sflag:s4], $0x4000;
	s15 =	simm.s32 @!p0 $0x0  }
0x34: {  	[sflag:s4] =	ssyncset.done $0x0;
	s16 =	sshll.u32 s15, $0xE  }
0x35: {  	[sflag:s4] =	ssyncadd.s32 $0xFFFFC000;
	s17 =	sor.u32 $0x40, s16  }
0x36: {  	s15 =	smul.u32 $0x10200, s15;
	v0 =	vld [tilespmem:s17+$0x30]  }
0x37: {  	v3 =	vld [tilespmem:s17+$0xFFFFFFD0]  }
0x38: {  	s15 =	sshrl.u32 s15, $0x2;
	v4 =	vld [tilespmem:s17+$0xFFFFFFE0]  }
0x39: {  	v5 =	vld [tilespmem:s17+$0xFFFFFFF0];
	s16 =	sor.u32 $0x8000, s15  }
0x3a: {  	s31 =	sand.u32 $0x1, s12;
	v1 =	vld [tilespmem:s17+$0x0];
	s18 =	sadd.s32 $0x0, s16  }
0x3b: {  	v2 =	vld [tilespmem:s17+$0x10];
	s15 =	smul.u32 $0x10200, s31;
	[tilespmem:s18+$0x3870 ss:$0x81] =	vst.msk $0xffff, v0  }
0x3c: {  	[tilespmem:s18+$0x810 ss:$0x81] =	vst.msk $0xffff, v3;
	v3 =	vld [tilespmem:s17+$0x20]  }
0x3d: {  	s15 =	sshrl.u32 s15, $0x2;
	v0 =	vld [tilespmem:s17+$0xFFFFFFC0];
	[tilespmem:s18+$0x1020 ss:$0x81] =	vst.msk $0xffff, v4;
	s17 =	sadd.s32 $0x80, s17  }
0x3e: {  	s19 =	simm.s32 $0x4;
	s20 =	simm.s32 $0x8;
	s15 =	sor.u32 $0x8000, s15;
	[tilespmem:s18+$0x1830 ss:$0x81] =	vst.msk $0xffff, v5;
	v4 =	vld [tilespmem:s17+$0x30]  }
.LBB1_3:
0x3f: {  	p1 =	sne.s32 s20, $0x1FC;
	v5 =	vld [tilespmem:s17+$0xFFFFFFD0];
	[tilespmem:s18+$0x2040 ss:$0x81] =	vst.msk $0xffff, v1  }
0x40: {  	v6 =	vld [tilespmem:s17+$0xFFFFFFE0];
	[tilespmem:s18+$0x2850 ss:$0x81] =	vst.msk $0xffff, v2  }
0x41: {  	s21 =	sshra.s32 s19, $0x2;
	s19 =	smov.u32 s20;
	v7 =	vld [tilespmem:s17+$0xFFFFFFF0];
	[tilespmem:s18+$0x3060 ss:$0x81] =	vst.msk $0xffff, v3  }
.Ltmp3:
0x42: {  	v1 =	vld [tilespmem:s17+$0x0];
	[tilespmem:s18+$0x0 ss:$0x81] =	vst.msk $0xffff, v0;
	s18 =	sadd.s32 s21, s16;
	(pc) =	sbr.rel @p1 .LBB1_3-.Ltmp3, $4  }
0x43: {  	v2 =	vld [tilespmem:s17+$0x10];
	[tilespmem:s18+$0x3870 ss:$0x81] =	vst.msk $0xffff, v4  }
0x44: {  	[tilespmem:s18+$0x810 ss:$0x81] =	vst.msk $0xffff, v5;
	v3 =	vld [tilespmem:s17+$0x20]  }
0x45: {  	v0 =	vld [tilespmem:s17+$0xFFFFFFC0];
	[tilespmem:s18+$0x1020 ss:$0x81] =	vst.msk $0xffff, v6;
	s17 =	sadd.s32 $0x80, s17  }
0x46: {  	s20 =	sadd.s32 $0x4, s20;
	v4 =	vld [tilespmem:s17+$0x30];
	[tilespmem:s18+$0x1830 ss:$0x81] =	vst.msk $0xffff, v7  }
.Ltmp4:
0x47: {  	_ = 	snop;
	(pc) =	sbr.rel .LBB1_4-.Ltmp4, $1  }
0x48: {  	_ =	sdelay $0x3  }
.LBB1_6:
0x49: {  	_ =	sfence.sel $0x180000  }
0x4a: {  	s2 =	simm.s32 $0x1;
	[bflag:$0x0] =	sbarrier.arrive $0xFFFF  }
0x4b: {  	s31 =	simm.s32 $0x2;
	[sflag:s2] =	ssyncpa.u1 $0x1  }
0x4c: {  	[sflag:s31] =	ssyncpa.u1 $0x1  }
0x4d: {  	p0 =	sne.s32 s1, $0x0;
	_ =	strace $0x9000004A  }
0x4e: {  	s0 =	sadd.s32 @!p0 $0x100000, s0;
	[bflag:$0x2] =	sbarrier.arrive $0xFFFF  }
0x4f: {  	[sflag:s0] =	ssyncadd.tile.s32 @!p0 $0x1;
	_ =	shalt  }
.Lfunc_end1:
_tile_overlayer_lowered:
.L_overlay_start_2:
0x50: {  	(tag) =	ssettag $0x2  }
0x51: {  	s0 =	rddreg [dreg:$0x0];
	s2 =	stileid.u32  }
0x52: {  	s1 =	rddreg [dreg:$0x1];
	p0 =	sne.s32 s2, $0x0  }
0x53: {  	s3 =	rddreg [dreg:$0x2];
	[bflag:$0x3] =	sbarrier.arrive $0xFFFF;
	s2 =	simm.s32 @!p0 $0x1C01  }
0x54: {  	[timem:s3], [sflag:s2] =	dma.local @!p0 [hbm:s0], s1  }
0x55: {  	s0 =	simm.s32 @!p0 $0x1  }
0x56: {  	_ =	swait.ge @!p0 [sflag:s0], s1  }
0x57: {  	s1 =	ssub.s32 @!p0 $0x0, s1;
	[sflag:s0] =	ssyncset.done @!p0 $0x0  }
0x58: {  	[sflag:s0] =	ssyncadd.s32 @!p0 s1  }
0x59: {  	[bflag:$0x3] =	sbarrier.arrive $0xFFFF  }
0x5a: {  	_ =	shalt  }

</sc_bundles>
